<compile_context>
chip_gen: v7x
topology: tpu7x:2x2x1
jax: 0.10.2.dev20260603
libtpu: 0.0.44.dev20260713+nightly
codegen_flags: <defaults>
</compile_context>

<pallas_src>
import functools

import jax
import jax.numpy as jnp
from jax import lax
from jax.experimental import pallas as pl
from jax.experimental.pallas import tpu as pltpu
from jax.experimental.pallas import tpu_sc as plsc

EPS = 1e-8
COORDS_WEIGHT = 1.0

NC = 2
NS = 16
NW = NC * NS


def _pack_bf16(mm):
    lo = lax.bitcast_convert_type(mm[:, 0:64].astype(jnp.bfloat16),
                                  jnp.uint16).astype(jnp.uint32)
    hi = lax.bitcast_convert_type(mm[:, 64:128].astype(jnp.bfloat16),
                                  jnp.uint16).astype(jnp.uint32)
    return lax.bitcast_convert_type(lo | (hi << 16), jnp.int32)


def _k0_body(h_ref, cpad_ref, w1a_ref, w1b_ref, ta_ref, tb_ref):
    h = h_ref[...]
    cbits = lax.bitcast_convert_type(cpad_ref[...], jnp.int32)
    mma = jnp.dot(h, w1a_ref[...], preferred_element_type=jnp.float32)
    mmb = jnp.dot(h, w1b_ref[...], preferred_element_type=jnp.float32)
    ta_ref[...] = jnp.concatenate([_pack_bf16(mma), cbits], axis=1)
    tb_ref[...] = jnp.concatenate([_pack_bf16(mmb), cbits], axis=1)


def _prep_tables(h, cpad, w1a, w1b, blk):
    n, d = h.shape
    return pl.pallas_call(
        _k0_body,
        grid=(n // blk,),
        in_specs=[
            pl.BlockSpec((blk, d), lambda i: (i, 0)),
            pl.BlockSpec((blk, 16), lambda i: (i, 0)),
            pl.BlockSpec((d, d), lambda i: (0, 0)),
            pl.BlockSpec((d, d), lambda i: (0, 0)),
        ],
        out_specs=[
            pl.BlockSpec((blk, 80), lambda i: (i, 0)),
            pl.BlockSpec((blk, 80), lambda i: (i, 0)),
        ],
        out_shape=[
            jax.ShapeDtypeStruct((n, 80), jnp.int32),
            jax.ShapeDtypeStruct((n, 80), jnp.int32),
        ],
    )(h, cpad, w1a, w1b)


def _gather_sum(ta, tb, row_p, col_p, ep, be):
    ew = ep // NW
    nb = ew // be
    mesh = plsc.VectorSubcoreMesh(core_axis_name="c", subcore_axis_name="s")
    msk = jnp.int32(-65536)
    half = jnp.int32(0x8000)

    @functools.partial(
        pl.kernel,
        out_type=jax.ShapeDtypeStruct((ep, 128), jnp.int32),
        mesh=mesh,
        scratch_types=[
            pltpu.VMEM((be,), jnp.int32), pltpu.VMEM((be,), jnp.int32),
            pltpu.VMEM((be,), jnp.int32), pltpu.VMEM((be,), jnp.int32),
            pltpu.VMEM((be, 80), jnp.int32), pltpu.VMEM((be, 80), jnp.int32),
            pltpu.VMEM((be, 80), jnp.int32), pltpu.VMEM((be, 80), jnp.int32),
            pltpu.VMEM((be, 128), jnp.int32), pltpu.VMEM((be, 128), jnp.int32),
            pltpu.SemaphoreType.DMA, pltpu.SemaphoreType.DMA,
        ],
        compiler_params=pltpu.CompilerParams(use_tc_tiling_on_sc=False,
                                             needs_layout_passes=False),
    )
    def k1(ta_hbm, tb_hbm, row_hbm, col_hbm, s_hbm,
           idx_r0, idx_c0, idx_r1, idx_c1, bufa0, bufb0, bufa1, bufb1,
           bufs0, bufs1, sem0, sem1):
        c = lax.axis_index("c")
        s = lax.axis_index("s")
        wid = c * NS + s
        base = wid * ew
        idx = ((idx_r0, idx_c0), (idx_r1, idx_c1))
        buf = ((bufa0, bufb0), (bufa1, bufb1))
        out = (bufs0, bufs1)
        sem = (sem0, sem1)

        def load(k, off):
            pltpu.sync_copy(row_hbm.at[pl.ds(off, be)], idx[k][0])
            pltpu.sync_copy(col_hbm.at[pl.ds(off, be)], idx[k][1])
            pltpu.async_copy(ta_hbm.at[idx[k][0]], buf[k][0], sem[k])
            pltpu.async_copy(tb_hbm.at[idx[k][1]], buf[k][1], sem[k])

        def drain(k):
            pltpu.make_async_copy(ta_hbm.at[idx[k][0]], buf[k][0], sem[k]).wait()
            pltpu.make_async_copy(tb_hbm.at[idx[k][1]], buf[k][1], sem[k]).wait()

        def combine(k):
            bufa, bufb = buf[k]
            bufs = out[k]

            def rowfn(i, c2):
                for g in range(4):
                    sl = pl.ds(g * 16, 16)
                    a = bufa[i, sl]
                    b = bufb[i, sl]
                    slo = (plsc.bitcast(a << 16, jnp.float32)
                           + plsc.bitcast(b << 16, jnp.float32))
                    shi = (plsc.bitcast(a & msk, jnp.float32)
                           + plsc.bitcast(b & msk, jnp.float32))
                    lo16 = lax.shift_right_logical(
                        plsc.bitcast(slo, jnp.int32) + half, 16)
                    hi16 = (plsc.bitcast(shi, jnp.int32) + half) & msk
                    bufs[i, sl] = lo16 | hi16

                slc = pl.ds(64, 16)
                da = plsc.bitcast(bufa[i, slc], jnp.float32)
                db = plsc.bitcast(bufb[i, slc], jnp.float32)
                bufs[i, slc] = plsc.bitcast(da - db, jnp.int32)
                return c2

            lax.fori_loop(0, be, rowfn, 0)

        def store(k, off):
            pltpu.sync_copy(out[k], s_hbm.at[pl.ds(off, be)])

        load(0, base)

        def pair(i, carry):
            off0 = base + (2 * i) * be
            load(1, off0 + be)
            drain(0)
            combine(0)
            store(0, off0)

            @pl.when(i + 1 < nb // 2)
            def _():
                load(0, off0 + 2 * be)

            drain(1)
            combine(1)
            store(1, off0 + be)
            return carry

        lax.fori_loop(0, nb // 2, pair, 0)

    return k1(ta, tb, row_p, col_p)


def _unpack_bf16(p):
    lo = lax.bitcast_convert_type(p << 16, jnp.float32)
    hi = lax.bitcast_convert_type(p & jnp.int32(-65536), jnp.float32)
    return lo, hi


def _k2_body(s_ref, wr01_ref, wr2_ref, be1_ref, we2_ref, be2_ref,
             wc1_ref, bc1_ref, wclt_ref, t_ref, td_ref):
    x = s_ref[...]
    slo, shi = _unpack_bf16(x[:, 0:64])
    s = jnp.concatenate([slo, shi], axis=1)
    d = lax.bitcast_convert_type(x[:, 64:67], jnp.float32)
    sumsq = jnp.sum(d * d, axis=1, keepdims=True)
    nrm = jnp.sqrt(sumsq)
    fxv = sumsq / ((nrm + EPS) * (nrm + EPS))
    e1 = jax.nn.relu(s + nrm * wr01_ref[...] + fxv * wr2_ref[...] + be1_ref[...])
    ef = jax.nn.relu(
        jnp.dot(e1, we2_ref[...], preferred_element_type=jnp.float32)
        + be2_ref[...])
    c1 = jax.nn.relu(
        jnp.dot(ef, wc1_ref[...], preferred_element_type=jnp.float32)
        + bc1_ref[...])
    scalar = jnp.sum(c1 * wclt_ref[...], axis=1, keepdims=True)
    trans = jnp.clip(d * scalar, -100.0, 100.0)
    blk = s.shape[0]
    t_ref[...] = ef
    td_ref[...] = jnp.concatenate(
        [trans, jnp.ones((blk, 1), jnp.float32),
         jnp.zeros((blk, 124), jnp.float32)], axis=1)


def _edge_mlp(s, wr01, wr2, be1, we2, be2, wc1, bc1, wclt, blk):
    ep = s.shape[0]
    wspec = pl.BlockSpec((128, 128), lambda i: (0, 0))
    bspec = pl.BlockSpec((1, 128), lambda i: (0, 0))
    espec = pl.BlockSpec((blk, 128), lambda i: (i, 0))
    return pl.pallas_call(
        _k2_body,
        grid=(ep // blk,),
        in_specs=[espec,
                  bspec, bspec, bspec, wspec, bspec, wspec, bspec, bspec],
        out_specs=[espec, espec],
        out_shape=[
            jax.ShapeDtypeStruct((ep, 128), jnp.float32),
            jax.ShapeDtypeStruct((ep, 128), jnp.float32),
        ],
    )(s, wr01, wr2, be1, we2, be2, wc1, bc1, wclt)


def _segment_sum(t, td, rowscat, npad, ep, be):
    ew = ep // NW
    nb = ew // be
    rs = npad // NS
    ch = 64
    nch = rs // ch
    mesh = plsc.VectorSubcoreMesh(core_axis_name="c", subcore_axis_name="s")

    @functools.partial(
        pl.kernel,
        out_type=[
            jax.ShapeDtypeStruct((NC, npad, 128), jnp.float32),
            jax.ShapeDtypeStruct((NC, npad, 16), jnp.float32),
        ],
        mesh=mesh,
        scratch_types=[
            pltpu.VMEM((be,), jnp.int32), pltpu.VMEM((be,), jnp.int32),
            pltpu.VMEM((be, 128), jnp.float32),
            pltpu.VMEM((be, 128), jnp.float32),
            pltpu.VMEM((be, 16), jnp.float32),
            pltpu.VMEM((be, 16), jnp.float32),
            pltpu.VMEM((ch, 128), jnp.float32),
            pltpu.VMEM((ch, 16), jnp.float32),
            pltpu.VMEM_SHARED((npad, 128), jnp.float32),
            pltpu.VMEM_SHARED((npad, 16), jnp.float32),
            pltpu.SemaphoreType.DMA, pltpu.SemaphoreType.DMA,
        ],
        compiler_params=pltpu.CompilerParams(use_tc_tiling_on_sc=False),
    )
    def k3(t_hbm, td_hbm, row_hbm, outf_hbm, outd_hbm, idx_v0, idx_v1,
           buft0, buft1, bufd0, bufd1, bounce, bounced, acc, accd,
           sem0, sem1):
        c = lax.axis_index("c")
        s = lax.axis_index("s")
        base = c * (ep // NC) + s * ew
        zeros16 = jnp.zeros((16,), jnp.float32)
        idx = (idx_v0, idx_v1)
        buf = (buft0, buft1)
        bufd = (bufd0, bufd1)
        sem = (sem0, sem1)

        def zrow(i, c2):
            for j in range(8):
                bounce[i, pl.ds(j * 16, 16)] = zeros16
            bounced[i, pl.ds(0, 16)] = zeros16
            return c2

        def load(k, off):
            pltpu.async_copy(row_hbm.at[pl.ds(off, be)], idx[k], sem[k])
            pltpu.async_copy(t_hbm.at[pl.ds(off, be)], buf[k], sem[k])
            pltpu.async_copy(td_hbm.at[pl.ds(off, be), pl.ds(0, 16)],
                             bufd[k], sem[k])

        def drain(k, off):
            pltpu.make_async_copy(row_hbm.at[pl.ds(off, be)], idx[k],
                                  sem[k]).wait()
            pltpu.make_async_copy(t_hbm.at[pl.ds(off, be)], buf[k],
                                  sem[k]).wait()
            pltpu.make_async_copy(td_hbm.at[pl.ds(off, be), pl.ds(0, 16)],
                                  bufd[k], sem[k]).wait()

        lax.fori_loop(0, ch, zrow, 0)

        def zch(k, c2):
            pltpu.sync_copy(bounce, acc.at[pl.ds(s * rs + k * ch, ch)])
            pltpu.sync_copy(bounced, accd.at[pl.ds(s * rs + k * ch, ch)])
            return c2

        lax.fori_loop(0, nch, zch, 0)
        plsc.subcore_barrier()
        load(0, base)

        def pair(i, c2):
            off0 = base + (2 * i) * be
            load(1, off0 + be)
            drain(0, off0)
            pltpu.sync_copy(buf[0], acc.at[idx[0]], add=True)
            pltpu.sync_copy(bufd[0], accd.at[idx[0]], add=True)

            @pl.when(i + 1 < nb // 2)
            def _():
                load(0, off0 + 2 * be)

            drain(1, off0 + be)
            pltpu.sync_copy(buf[1], acc.at[idx[1]], add=True)
            pltpu.sync_copy(bufd[1], accd.at[idx[1]], add=True)
            return c2

        lax.fori_loop(0, nb // 2, pair, 0)
        plsc.subcore_barrier()

        def och(k, c2):
            r0 = s * rs + k * ch
            pltpu.sync_copy(acc.at[pl.ds(r0, ch)], bounce)
            pltpu.sync_copy(bounce, outf_hbm.at[c, pl.ds(r0, ch)])
            pltpu.sync_copy(accd.at[pl.ds(r0, ch)], bounced)
            pltpu.sync_copy(bounced, outd_hbm.at[c, pl.ds(r0, ch)])
            return c2

        lax.fori_loop(0, nch, och, 0)

    return k3(t, td, rowscat)


def _k4_body(h_ref, pf0_ref, pf1_ref, pd0_ref, pd1_ref, wnh_ref, wna_ref,
             bn1_ref, wn2_ref, bn2_ref, hout_ref, cout_ref):
    agg = pf0_ref[...] + pf1_ref[...]
    h = h_ref[...]
    n1 = jax.nn.relu(
        jnp.dot(h, wnh_ref[...], preferred_element_type=jnp.float32)
        + jnp.dot(agg, wna_ref[...], preferred_element_type=jnp.float32)
        + bn1_ref[...])
    hout_ref[...] = (
        jnp.dot(n1, wn2_ref[...], preferred_element_type=jnp.float32)
        + bn2_ref[...])
    p = pd0_ref[...] + pd1_ref[...]
    ssum = p[:, 0:3]
    cnt = jnp.maximum(p[:, 3:4], 1.0)
    blk = p.shape[0]
    cout_ref[...] = jnp.concatenate(
        [(ssum / cnt) * COORDS_WEIGHT, jnp.zeros((blk, 13), jnp.float32)],
        axis=1)


def _node_mlp(h, pfs, pds, wnh, wna, bn1, wn2, bn2, blk):
    n, d = h.shape
    wspec = pl.BlockSpec((128, 128), lambda i: (0, 0))
    bspec = pl.BlockSpec((1, 128), lambda i: (0, 0))
    nspec = pl.BlockSpec((blk, 128), lambda i: (i, 0))
    dspec = pl.BlockSpec((blk, 16), lambda i: (i, 0))
    return pl.pallas_call(
        _k4_body,
        grid=(n // blk,),
        in_specs=[nspec, nspec, nspec, dspec, dspec,
                  wspec, wspec, bspec, wspec, bspec],
        out_specs=[
            pl.BlockSpec((blk, d), lambda i: (i, 0)),
            pl.BlockSpec((blk, 16), lambda i: (i, 0)),
        ],
        out_shape=[
            jax.ShapeDtypeStruct((n, d), jnp.float32),
            jax.ShapeDtypeStruct((n, 16), jnp.float32),
        ],
    )(h, *pfs, *pds, wnh, wna, bn1, wn2, bn2)


def kernel(h, edge_index, coord, W_e1, b_e1, W_e2, b_e2, W_n1, b_n1, W_n2,
           b_n2, W_c1, b_c1, W_cl):
    n, d = h.shape
    e = edge_index.shape[1]
    ep = ((e + 1024 * NW - 1) // (1024 * NW)) * (1024 * NW)
    npad = 10240 if n <= 10240 else ((n + 2 * NS * 128 - 1)
                                     // (NS * 128)) * (NS * 128)
    dump = n

    row = edge_index[0]
    col = edge_index[1]
    pad = ep - e
    row_p = jnp.concatenate([row, jnp.zeros((pad,), jnp.int32)])
    col_p = jnp.concatenate([col, jnp.zeros((pad,), jnp.int32)])
    rowscat = jnp.concatenate([row, jnp.full((pad,), dump, jnp.int32)])

    cpad = jnp.concatenate([coord, jnp.zeros((n, 13), jnp.float32)], axis=1)

    w1a = W_e1[0:d]
    w1b = W_e1[d:2 * d]
    wr01 = (W_e1[2 * d] + W_e1[2 * d + 1])[None, :]
    wr2 = W_e1[2 * d + 2][None, :]

    ta, tb = _prep_tables(h, cpad, w1a, w1b, blk=2000)
    s = _gather_sum(ta, tb, row_p, col_p, ep, be=128)
    t, td = _edge_mlp(s, wr01, wr2, b_e1[None, :], W_e2, b_e2[None, :],
                      W_c1, b_c1[None, :], W_cl.reshape(1, -1), blk=2048)
    pf, pd = _segment_sum(t, td, rowscat, npad, ep, be=64)
    h_out, c_out = _node_mlp(h, [pf[0, :n], pf[1, :n]], [pd[0, :n], pd[1, :n]],
                             W_n1[:d], W_n1[d:], b_n1[None, :],
                             W_n2, b_n2[None, :], blk=2000)
    return h_out, c_out[:, :3]

# --- scband reference (transcript-rebuilt; emitter-appended) ---
"""Pipeline reference for scband-grn-2473901163257 (READ-ONLY COPY).

The authoritative reference and input builder live on the scoring server;
editing this copy changes nothing except your own understanding.
"""

import jax, jax.numpy as jnp
import numpy as np

N = 10000
E = 320000
D = 128
H = 128
EPS = 1e-8
COORDS_WEIGHT = 1.0


def setup_inputs(seed: int = 0) -> dict:
    key = jax.random.key(seed)
    ks = jax.random.split(key, 10)
    h = jax.random.normal(ks[0], (N, D), dtype=jnp.float32)
    edge_index = jax.random.randint(ks[1], (2, E), 0, N, dtype=jnp.int32)
    coord = jax.random.normal(ks[2], (N, 3), dtype=jnp.float32)
    in_e = 2 * D + 3
    W_e1 = jax.random.normal(ks[3], (in_e, H), dtype=jnp.float32) / jnp.sqrt(in_e)
    b_e1 = jnp.zeros((H,), jnp.float32)
    W_e2 = jax.random.normal(ks[4], (H, H), dtype=jnp.float32) / jnp.sqrt(H)
    b_e2 = jnp.zeros((H,), jnp.float32)
    in_n = H + D
    W_n1 = jax.random.normal(ks[5], (in_n, H), dtype=jnp.float32) / jnp.sqrt(in_n)
    b_n1 = jnp.zeros((H,), jnp.float32)
    W_n2 = jax.random.normal(ks[6], (H, D), dtype=jnp.float32) / jnp.sqrt(H)
    b_n2 = jnp.zeros((D,), jnp.float32)
    W_c1 = jax.random.normal(ks[7], (H, H), dtype=jnp.float32) / jnp.sqrt(H)
    b_c1 = jnp.zeros((H,), jnp.float32)
    W_cl = jax.random.normal(ks[8], (H, 1), dtype=jnp.float32) * 0.001
    return {"h": h, "edge_index": edge_index, "coord": coord,
            "W_e1": W_e1, "b_e1": b_e1, "W_e2": W_e2, "b_e2": b_e2,
            "W_n1": W_n1, "b_n1": b_n1, "W_n2": W_n2, "b_n2": b_n2,
            "W_c1": W_c1, "b_c1": b_c1, "W_cl": W_cl}


def reference(h, edge_index, coord, W_e1, b_e1, W_e2, b_e2, W_n1, b_n1, W_n2, b_n2, W_c1, b_c1, W_cl):
    row = edge_index[0]
    col = edge_index[1]
    # coord2radial (original forward passes only coord; vel falls back to coord)
    coord_diff = coord[row] - coord[col]
    vel_diff = coord[row] - coord[col]
    f_x = jnp.sqrt(jnp.sum(coord_diff ** 2, axis=1))[:, None]
    f_v = jnp.sqrt(jnp.sum(vel_diff ** 2, axis=1))[:, None]
    coord_norm = jnp.linalg.norm(coord_diff, ord=2, axis=-1)[:, None]
    vel_norm = jnp.linalg.norm(vel_diff, ord=2, axis=-1)[:, None]
    f_xv = jnp.sum((coord_diff / (coord_norm + EPS)) * (vel_diff / (vel_norm + EPS)), axis=1)[:, None]
    radial = jnp.concatenate((f_x, f_v, f_xv), axis=1)
    # edge_model (attention=False)
    edge_in = jnp.concatenate([h[row], h[col], radial], axis=1)
    e1 = jax.nn.relu(edge_in @ W_e1 + b_e1)
    edge_feat = jax.nn.relu(e1 @ W_e2 + b_e2)
    # coord_model
    c1 = jax.nn.relu(edge_feat @ W_c1 + b_c1)
    scalar = c1 @ W_cl
    trans = jnp.clip(coord_diff * scalar, -100.0, 100.0)
    seg_sum = jax.ops.segment_sum(trans, row, num_segments=N)
    seg_cnt = jax.ops.segment_sum(jnp.ones((E, 1), jnp.float32), row, num_segments=N)
    coord_new = (seg_sum / jnp.clip(seg_cnt, 1.0)) * COORDS_WEIGHT
    # node_model (node_attr=None)
    agg = jax.ops.segment_sum(edge_feat, row, num_segments=N)
    node_in = jnp.concatenate([h, agg], axis=1)
    n1 = jax.nn.relu(node_in @ W_n1 + b_n1)
    h_out = n1 @ W_n2 + b_n2
    return (h_out, coord_new)

if __name__ == "__main__":
    import jax
    _d = setup_inputs()
    print(jax.jit(kernel)(*tuple(_d.values())))

</pallas_src>

<mosaic_0001>
#map = affine_map<(d0, d1) -> (0, 0)>
#map1 = affine_map<(d0, d1) -> (0)>
module attributes {stable_mosaic.version = 14 : i64} {
  func.func @_rewritten_body(%arg0: i32, %arg1: i32, %arg2: memref<10000x80xi32, #tpu.memory_space<hbm>>, %arg3: memref<10000x80xi32, #tpu.memory_space<hbm>>, %arg4: memref<327680xi32, #tpu.memory_space<hbm>>, %arg5: memref<327680xi32, #tpu.memory_space<hbm>>, %arg6: memref<1xi32, #tpu.memory_space<hbm>>, %arg7: memref<1xi32, #tpu.memory_space<hbm>>, %arg8: memref<327680x128xi32, #tpu.memory_space<hbm>>, %arg9: memref<128xi32, #tpu.memory_space<vmem>>, %arg10: memref<128xi32, #tpu.memory_space<vmem>>, %arg11: memref<128xi32, #tpu.memory_space<vmem>>, %arg12: memref<128xi32, #tpu.memory_space<vmem>>, %arg13: memref<128x80xi32, #tpu.memory_space<vmem>>, %arg14: memref<128x80xi32, #tpu.memory_space<vmem>>, %arg15: memref<128x80xi32, #tpu.memory_space<vmem>>, %arg16: memref<128x80xi32, #tpu.memory_space<vmem>>, %arg17: memref<128x128xi32, #tpu.memory_space<vmem>>, %arg18: memref<128x128xi32, #tpu.memory_space<vmem>>, %arg19: memref<!tpu.dma_semaphore, #tpu.memory_space<semaphore_mem>>, %arg20: memref<!tpu.dma_semaphore, #tpu.memory_space<semaphore_mem>>) attributes {dimension_semantics = [#tpu.dimension_semantics<core_parallel>, #tpu.dimension_semantics<subcore_parallel>], iteration_bounds = array<i64: 2, 16>, scalar_prefetch = 0 : i64, scratch_operands = 12 : i64, tpu.core_type = #tpu.core_type<sc_vector_subcore>, window_params = [{transform_indices = #map}, {transform_indices = #map}, {transform_indices = #map1}, {transform_indices = #map1}, {transform_indices = #map1}, {transform_indices = #map1}, {transform_indices = #map}]} {
    %empty_ref3A = memref.alloca() : memref<16xi32, #tpu.memory_space<vmem>>
    %empty_ref3A_0 = memref.alloca() : memref<16xi32, #tpu.memory_space<vmem>>
    "tpu.region"() ({
      %run_scoped3A = tpu.sem_alloc : memref<!tpu.dma_semaphore, #tpu.memory_space<semaphore_mem>>
      %dma_start3A_19 = arith.constant 0 : i32
      %dma_start3A_20 = tpu.memref_slice %empty_ref3A[%dma_start3A_19] : memref<16xi32, #tpu.memory_space<vmem>> -> memref<1xi32, #tpu.memory_space<vmem>>
      %dma_start3A_21 = arith.constant 0 : i32
      %dma_start3A_22 = tpu.memref_slice %empty_ref3A[%dma_start3A_21] : memref<16xi32, #tpu.memory_space<vmem>> -> memref<1xi32, #tpu.memory_space<vmem>>
      tpu.enqueue_dma source(%arg6 : memref<1xi32, #tpu.memory_space<hbm>>) target(%dma_start3A_22 : memref<1xi32, #tpu.memory_space<vmem>>) target_semaphore(%run_scoped3A : memref<!tpu.dma_semaphore, #tpu.memory_space<semaphore_mem>>)
      %dma_start3A_23 = arith.constant 0 : i32
      %dma_start3A_24 = tpu.memref_slice %empty_ref3A_0[%dma_start3A_23] : memref<16xi32, #tpu.memory_space<vmem>> -> memref<1xi32, #tpu.memory_space<vmem>>
      %dma_start3A_25 = arith.constant 0 : i32
      %dma_start3A_26 = tpu.memref_slice %empty_ref3A_0[%dma_start3A_25] : memref<16xi32, #tpu.memory_space<vmem>> -> memref<1xi32, #tpu.memory_space<vmem>>
      tpu.enqueue_dma source(%arg7 : memref<1xi32, #tpu.memory_space<hbm>>) target(%dma_start3A_26 : memref<1xi32, #tpu.memory_space<vmem>>) target_semaphore(%run_scoped3A : memref<!tpu.dma_semaphore, #tpu.memory_space<semaphore_mem>>)
      %dma_wait3A = arith.constant 0 : i32
      %dma_wait3A_27 = tpu.memref_slice %empty_ref3A[%dma_wait3A] : memref<16xi32, #tpu.memory_space<vmem>> -> memref<1xi32, #tpu.memory_space<vmem>>
      %dma_wait3A_28 = arith.constant 0 : i32
      %dma_wait3A_29 = tpu.memref_slice %empty_ref3A[%dma_wait3A_28] : memref<16xi32, #tpu.memory_space<vmem>> -> memref<1xi32, #tpu.memory_space<vmem>>
      tpu.wait_dma2 semaphore(%run_scoped3A : memref<!tpu.dma_semaphore, #tpu.memory_space<semaphore_mem>>) src(%arg6 : memref<1xi32, #tpu.memory_space<hbm>>) dst(%dma_wait3A_29 : memref<1xi32, #tpu.memory_space<vmem>>)
      %dma_wait3A_30 = arith.constant 0 : i32
      %dma_wait3A_31 = tpu.memref_slice %empty_ref3A_0[%dma_wait3A_30] : memref<16xi32, #tpu.memory_space<vmem>> -> memref<1xi32, #tpu.memory_space<vmem>>
      %dma_wait3A_32 = arith.constant 0 : i32
      %dma_wait3A_33 = tpu.memref_slice %empty_ref3A_0[%dma_wait3A_32] : memref<16xi32, #tpu.memory_space<vmem>> -> memref<1xi32, #tpu.memory_space<vmem>>
      tpu.wait_dma2 semaphore(%run_scoped3A : memref<!tpu.dma_semaphore, #tpu.memory_space<semaphore_mem>>) src(%arg7 : memref<1xi32, #tpu.memory_space<hbm>>) dst(%dma_wait3A_33 : memref<1xi32, #tpu.memory_space<vmem>>)
      tpu.yield
    }) : () -> ()
    %get3A = arith.constant 0 : index
    %get3A_1 = tpu.vector_load %empty_ref3A[%get3A] {strides = array<i32>} : memref<16xi32, #tpu.memory_space<vmem>>, vector<16xi32>,
    %slice3A = vector.extract_strided_slice %get3A_1 {offsets = [0], sizes = [1], strides = [1]} : vector<16xi32> to vector<1xi32>
    %squeeze3A = vector.extract %slice3A[0] : i32 from vector<1xi32>
    %get3A_2 = arith.constant 0 : index
    %get3A_3 = tpu.vector_load %empty_ref3A_0[%get3A_2] {strides = array<i32>} : memref<16xi32, #tpu.memory_space<vmem>>, vector<16xi32>,
    %slice3A_4 = vector.extract_strided_slice %get3A_3 {offsets = [0], sizes = [1], strides = [1]} : vector<16xi32> to vector<1xi32>
    %squeeze3A_5 = vector.extract %slice3A_4[0] : i32 from vector<1xi32>
    %mul3A = arith.constant 16 : i32
    %mul3A_6 = arith.muli %arg0, %mul3A : i32
    %add3A = arith.addi %mul3A_6, %arg1 : i32
    %mul3A_7 = arith.constant 10240 : i32
    %mul3A_8 = arith.muli %add3A, %mul3A_7 : i32
    "tpu.region"() ({
      %run_scoped3A = tpu.sem_alloc : memref<!tpu.dma_semaphore, #tpu.memory_space<semaphore_mem>>
      %dma_start3A_19 = tpu.memref_slice %arg4[%mul3A_8] : memref<327680xi32, #tpu.memory_space<hbm>> -> memref<128xi32, #tpu.memory_space<hbm>>
      %dma_start3A_20 = tpu.memref_slice %arg4[%mul3A_8] : memref<327680xi32, #tpu.memory_space<hbm>> -> memref<128xi32, #tpu.memory_space<hbm>>
      tpu.enqueue_dma source(%dma_start3A_20 : memref<128xi32, #tpu.memory_space<hbm>>) target(%arg9 : memref<128xi32, #tpu.memory_space<vmem>>) target_semaphore(%run_scoped3A : memref<!tpu.dma_semaphore, #tpu.memory_space<semaphore_mem>>)
      %dma_wait3A = tpu.memref_slice %arg4[%mul3A_8] : memref<327680xi32, #tpu.memory_space<hbm>> -> memref<128xi32, #tpu.memory_space<hbm>>
      %dma_wait3A_21 = tpu.memref_slice %arg4[%mul3A_8] : memref<327680xi32, #tpu.memory_space<hbm>> -> memref<128xi32, #tpu.memory_space<hbm>>
      tpu.wait_dma2 semaphore(%run_scoped3A : memref<!tpu.dma_semaphore, #tpu.memory_space<semaphore_mem>>) src(%dma_wait3A_21 : memref<128xi32, #tpu.memory_space<hbm>>) dst(%arg9 : memref<128xi32, #tpu.memory_space<vmem>>)
      tpu.yield
    }) : () -> ()
    "tpu.region"() ({
      %run_scoped3A = tpu.sem_alloc : memref<!tpu.dma_semaphore, #tpu.memory_space<semaphore_mem>>
      %dma_start3A_19 = tpu.memref_slice %arg5[%mul3A_8] : memref<327680xi32, #tpu.memory_space<hbm>> -> memref<128xi32, #tpu.memory_space<hbm>>
      %dma_start3A_20 = tpu.memref_slice %arg5[%mul3A_8] : memref<327680xi32, #tpu.memory_space<hbm>> -> memref<128xi32, #tpu.memory_space<hbm>>
      tpu.enqueue_dma source(%dma_start3A_20 : memref<128xi32, #tpu.memory_space<hbm>>) target(%arg10 : memref<128xi32, #tpu.memory_space<vmem>>) target_semaphore(%run_scoped3A : memref<!tpu.dma_semaphore, #tpu.memory_space<semaphore_mem>>)
      %dma_wait3A = tpu.memref_slice %arg5[%mul3A_8] : memref<327680xi32, #tpu.memory_space<hbm>> -> memref<128xi32, #tpu.memory_space<hbm>>
      %dma_wait3A_21 = tpu.memref_slice %arg5[%mul3A_8] : memref<327680xi32, #tpu.memory_space<hbm>> -> memref<128xi32, #tpu.memory_space<hbm>>
      tpu.wait_dma2 semaphore(%run_scoped3A : memref<!tpu.dma_semaphore, #tpu.memory_space<semaphore_mem>>) src(%dma_wait3A_21 : memref<128xi32, #tpu.memory_space<hbm>>) dst(%arg10 : memref<128xi32, #tpu.memory_space<vmem>>)
      tpu.yield
    }) : () -> ()
    %dma_start3A = arith.constant 0 : i32
    %dma_start3A_9 = arith.constant 0 : i32
    %dma_start3A_10 = tpu.memref_slice %arg2[%dma_start3A, %dma_start3A_9] : memref<10000x80xi32, #tpu.memory_space<hbm>> -> memref<10000x80xi32, #tpu.memory_space<hbm>>
    tpu.enqueue_indirect_dma source(%dma_start3A_10 : memref<10000x80xi32, #tpu.memory_space<hbm>>) target(%arg13 : memref<128x80xi32, #tpu.memory_space<vmem>>) offsets(%arg9 : memref<128xi32, #tpu.memory_space<vmem>>) semaphore(%arg19 : memref<!tpu.dma_semaphore, #tpu.memory_space<semaphore_mem>>)
    %dma_start3A_11 = arith.constant 0 : i32
    %dma_start3A_12 = arith.constant 0 : i32
    %dma_start3A_13 = tpu.memref_slice %arg3[%dma_start3A_11, %dma_start3A_12] : memref<10000x80xi32, #tpu.memory_space<hbm>> -> memref<10000x80xi32, #tpu.memory_space<hbm>>
    tpu.enqueue_indirect_dma source(%dma_start3A_13 : memref<10000x80xi32, #tpu.memory_space<hbm>>) target(%arg14 : memref<128x80xi32, #tpu.memory_space<vmem>>) offsets(%arg10 : memref<128xi32, #tpu.memory_space<vmem>>) semaphore(%arg19 : memref<!tpu.dma_semaphore, #tpu.memory_space<semaphore_mem>>)
    %scan3A = arith.constant 0 : i32
    %scan3A_14 = arith.constant 0 : i32
    %scan3A_15 = arith.constant 40 : i32
    %scan3A_16 = arith.addi %scan3A_14, %scan3A_15 : i32
    %scan3A_17 = arith.constant 1 : i32
    scf.for %scan3A_19 = %scan3A_14 to %scan3A_16 step %scan3A_17  : i32 {
      %mul3A_20 = arith.constant 2 : i32
      %mul3A_21 = arith.muli %mul3A_20, %scan3A_19 : i32
      %mul3A_22 = arith.constant 128 : i32
      %mul3A_23 = arith.muli %mul3A_21, %mul3A_22 : i32
      %add3A_24 = arith.addi %mul3A_8, %mul3A_23 : i32
      %add3A_25 = arith.constant 128 : i32
      %add3A_26 = arith.addi %add3A_24, %add3A_25 : i32
      "tpu.region"() ({
        %run_scoped3A = tpu.sem_alloc : memref<!tpu.dma_semaphore, #tpu.memory_space<semaphore_mem>>
        %dma_start3A_62 = tpu.memref_slice %arg4[%add3A_26] : memref<327680xi32, #tpu.memory_space<hbm>> -> memref<128xi32, #tpu.memory_space<hbm>>
        %dma_start3A_63 = tpu.memref_slice %arg4[%add3A_26] : memref<327680xi32, #tpu.memory_space<hbm>> -> memref<128xi32, #tpu.memory_space<hbm>>
        tpu.enqueue_dma source(%dma_start3A_63 : memref<128xi32, #tpu.memory_space<hbm>>) target(%arg11 : memref<128xi32, #tpu.memory_space<vmem>>) target_semaphore(%run_scoped3A : memref<!tpu.dma_semaphore, #tpu.memory_space<semaphore_mem>>)
        %dma_wait3A_64 = tpu.memref_slice %arg4[%add3A_26] : memref<327680xi32, #tpu.memory_space<hbm>> -> memref<128xi32, #tpu.memory_space<hbm>>
        %dma_wait3A_65 = tpu.memref_slice %arg4[%add3A_26] : memref<327680xi32, #tpu.memory_space<hbm>> -> memref<128xi32, #tpu.memory_space<hbm>>
        tpu.wait_dma2 semaphore(%run_scoped3A : memref<!tpu.dma_semaphore, #tpu.memory_space<semaphore_mem>>) src(%dma_wait3A_65 : memref<128xi32, #tpu.memory_space<hbm>>) dst(%arg11 : memref<128xi32, #tpu.memory_space<vmem>>)
        tpu.yield
      }) : () -> ()
      "tpu.region"() ({
        %run_scoped3A = tpu.sem_alloc : memref<!tpu.dma_semaphore, #tpu.memory_space<semaphore_mem>>
        %dma_start3A_62 = tpu.memref_slice %arg5[%add3A_26] : memref<327680xi32, #tpu.memory_space<hbm>> -> memref<128xi32, #tpu.memory_space<hbm>>
        %dma_start3A_63 = tpu.memref_slice %arg5[%add3A_26] : memref<327680xi32, #tpu.memory_space<hbm>> -> memref<128xi32, #tpu.memory_space<hbm>>
        tpu.enqueue_dma source(%dma_start3A_63 : memref<128xi32, #tpu.memory_space<hbm>>) target(%arg12 : memref<128xi32, #tpu.memory_space<vmem>>) target_semaphore(%run_scoped3A : memref<!tpu.dma_semaphore, #tpu.memory_space<semaphore_mem>>)
        %dma_wait3A_64 = tpu.memref_slice %arg5[%add3A_26] : memref<327680xi32, #tpu.memory_space<hbm>> -> memref<128xi32, #tpu.memory_space<hbm>>
        %dma_wait3A_65 = tpu.memref_slice %arg5[%add3A_26] : memref<327680xi32, #tpu.memory_space<hbm>> -> memref<128xi32, #tpu.memory_space<hbm>>
        tpu.wait_dma2 semaphore(%run_scoped3A : memref<!tpu.dma_semaphore, #tpu.memory_space<semaphore_mem>>) src(%dma_wait3A_65 : memref<128xi32, #tpu.memory_space<hbm>>) dst(%arg12 : memref<128xi32, #tpu.memory_space<vmem>>)
        tpu.yield
      }) : () -> ()
      %dma_start3A_27 = arith.constant 0 : i32
      %dma_start3A_28 = arith.constant 0 : i32
      %dma_start3A_29 = tpu.memref_slice %arg2[%dma_start3A_27, %dma_start3A_28] : memref<10000x80xi32, #tpu.memory_space<hbm>> -> memref<10000x80xi32, #tpu.memory_space<hbm>>
      tpu.enqueue_indirect_dma source(%dma_start3A_29 : memref<10000x80xi32, #tpu.memory_space<hbm>>) target(%arg15 : memref<128x80xi32, #tpu.memory_space<vmem>>) offsets(%arg11 : memref<128xi32, #tpu.memory_space<vmem>>) semaphore(%arg20 : memref<!tpu.dma_semaphore, #tpu.memory_space<semaphore_mem>>)
      %dma_start3A_30 = arith.constant 0 : i32
      %dma_start3A_31 = arith.constant 0 : i32
      %dma_start3A_32 = tpu.memref_slice %arg3[%dma_start3A_30, %dma_start3A_31] : memref<10000x80xi32, #tpu.memory_space<hbm>> -> memref<10000x80xi32, #tpu.memory_space<hbm>>
      tpu.enqueue_indirect_dma source(%dma_start3A_32 : memref<10000x80xi32, #tpu.memory_space<hbm>>) target(%arg16 : memref<128x80xi32, #tpu.memory_space<vmem>>) offsets(%arg12 : memref<128xi32, #tpu.memory_space<vmem>>) semaphore(%arg20 : memref<!tpu.dma_semaphore, #tpu.memory_space<semaphore_mem>>)
      %dma_wait3A = arith.constant 0 : i32
      %dma_wait3A_33 = arith.constant 0 : i32
      %dma_wait3A_34 = tpu.memref_slice %arg2[%dma_wait3A, %dma_wait3A_33] : memref<10000x80xi32, #tpu.memory_space<hbm>> -> memref<10000x80xi32, #tpu.memory_space<hbm>>
      tpu.wait_indirect_dma semaphore(%arg19 : memref<!tpu.dma_semaphore, #tpu.memory_space<semaphore_mem>>) src(%dma_wait3A_34 : memref<10000x80xi32, #tpu.memory_space<hbm>>) dst(%arg13 : memref<128x80xi32, #tpu.memory_space<vmem>>)
      %dma_wait3A_35 = arith.constant 0 : i32
      %dma_wait3A_36 = arith.constant 0 : i32
      %dma_wait3A_37 = tpu.memref_slice %arg3[%dma_wait3A_35, %dma_wait3A_36] : memref<10000x80xi32, #tpu.memory_space<hbm>> -> memref<10000x80xi32, #tpu.memory_space<hbm>>
      tpu.wait_indirect_dma semaphore(%arg19 : memref<!tpu.dma_semaphore, #tpu.memory_space<semaphore_mem>>) src(%dma_wait3A_37 : memref<10000x80xi32, #tpu.memory_space<hbm>>) dst(%arg14 : memref<128x80xi32, #tpu.memory_space<vmem>>)
      %scan3A_38 = arith.constant 0 : i32
      %scan3A_39 = arith.constant 0 : i32
      %scan3A_40 = arith.constant 128 : i32
      %scan3A_41 = arith.addi %scan3A_39, %scan3A_40 : i32
      %scan3A_42 = arith.constant 1 : i32
      scf.for %scan3A_62 = %scan3A_39 to %scan3A_41 step %scan3A_42  : i32 {
        %get3A_63 = arith.index_cast %scan3A_62 : i32 to index
        %get3A_64 = arith.constant 0 : index
        %get3A_65 = tpu.vector_load %arg13[%get3A_63, %get3A_64] {strides = array<i32>} : memref<128x80xi32, #tpu.memory_space<vmem>>, vector<16xi32>,
        %get3A_66 = arith.index_cast %scan3A_62 : i32 to index
        %get3A_67 = arith.constant 0 : index
        %get3A_68 = tpu.vector_load %arg14[%get3A_66, %get3A_67] {strides = array<i32>} : memref<128x80xi32, #tpu.memory_space<vmem>>, vector<16xi32>,
        %shift_left3A = arith.constant 16 : i32
        %shift_left3A_69 = vector.broadcast %shift_left3A : i32 to vector<16xi32>
        %shift_left3A_70 = arith.shli %get3A_65, %shift_left3A_69 : vector<16xi32>
        %bitcast3A = vector.bitcast %shift_left3A_70 : vector<16xi32> to vector<16xf32>
        %shift_left3A_71 = arith.constant 16 : i32
        %shift_left3A_72 = vector.broadcast %shift_left3A_71 : i32 to vector<16xi32>
        %shift_left3A_73 = arith.shli %get3A_68, %shift_left3A_72 : vector<16xi32>
        %bitcast3A_74 = vector.bitcast %shift_left3A_73 : vector<16xi32> to vector<16xf32>
        %add3A_75 = arith.addf %bitcast3A, %bitcast3A_74 : vector<16xf32>
        %and3A = vector.broadcast %squeeze3A : i32 to vector<16xi32>
        %and3A_76 = arith.andi %get3A_65, %and3A : vector<16xi32>
        %bitcast3A_77 = vector.bitcast %and3A_76 : vector<16xi32> to vector<16xf32>
        %and3A_78 = vector.broadcast %squeeze3A : i32 to vector<16xi32>
        %and3A_79 = arith.andi %get3A_68, %and3A_78 : vector<16xi32>
        %bitcast3A_80 = vector.bitcast %and3A_79 : vector<16xi32> to vector<16xf32>
        %add3A_81 = arith.addf %bitcast3A_77, %bitcast3A_80 : vector<16xf32>
        %bitcast3A_82 = vector.bitcast %add3A_75 : vector<16xf32> to vector<16xi32>
        %add3A_83 = vector.broadcast %squeeze3A_5 : i32 to vector<16xi32>
        %add3A_84 = arith.addi %bitcast3A_82, %add3A_83 : vector<16xi32>
        %shift_right_logical3A = arith.constant 16 : i32
        %shift_right_logical3A_85 = vector.broadcast %shift_right_logical3A : i32 to vector<16xi32>
        %shift_right_logical3A_86 = arith.shrui %add3A_84, %shift_right_logical3A_85 : vector<16xi32>
        %bitcast3A_87 = vector.bitcast %add3A_81 : vector<16xf32> to vector<16xi32>
        %add3A_88 = vector.broadcast %squeeze3A_5 : i32 to vector<16xi32>
        %add3A_89 = arith.addi %bitcast3A_87, %add3A_88 : vector<16xi32>
        %and3A_90 = vector.broadcast %squeeze3A : i32 to vector<16xi32>
        %and3A_91 = arith.andi %add3A_89, %and3A_90 : vector<16xi32>
        %or3A = arith.ori %shift_right_logical3A_86, %and3A_91 : vector<16xi32>
        %swap3A = arith.index_cast %scan3A_62 : i32 to index
        %swap3A_92 = arith.constant 0 : index
        %swap3A_93 = tpu.vector_load %arg17[%swap3A, %swap3A_92] {strides = array<i32>} : memref<128x128xi32, #tpu.memory_space<vmem>>, vector<16xi32>,
        tpu.vector_store %arg17[%swap3A, %swap3A_92], %or3A {strides = array<i32>} : memref<128x128xi32, #tpu.memory_space<vmem>>, vector<16xi32>,
        %get3A_94 = arith.index_cast %scan3A_62 : i32 to index
        %get3A_95 = arith.constant 16 : index
        %get3A_96 = tpu.vector_load %arg13[%get3A_94, %get3A_95] {strides = array<i32>} : memref<128x80xi32, #tpu.memory_space<vmem>>, vector<16xi32>,
        %get3A_97 = arith.index_cast %scan3A_62 : i32 to index
        %get3A_98 = arith.constant 16 : index
        %get3A_99 = tpu.vector_load %arg14[%get3A_97, %get3A_98] {strides = array<i32>} : memref<128x80xi32, #tpu.memory_space<vmem>>, vector<16xi32>,
        %shift_left3A_100 = arith.constant 16 : i32
        %shift_left3A_101 = vector.broadcast %shift_left3A_100 : i32 to vector<16xi32>
        %shift_left3A_102 = arith.shli %get3A_96, %shift_left3A_101 : vector<16xi32>
        %bitcast3A_103 = vector.bitcast %shift_left3A_102 : vector<16xi32> to vector<16xf32>
        %shift_left3A_104 = arith.constant 16 : i32
        %shift_left3A_105 = vector.broadcast %shift_left3A_104 : i32 to vector<16xi32>
        %shift_left3A_106 = arith.shli %get3A_99, %shift_left3A_105 : vector<16xi32>
        %bitcast3A_107 = vector.bitcast %shift_left3A_106 : vector<16xi32> to vector<16xf32>
        %add3A_108 = arith.addf %bitcast3A_103, %bitcast3A_107 : vector<16xf32>
        %and3A_109 = vector.broadcast %squeeze3A : i32 to vector<16xi32>
        %and3A_110 = arith.andi %get3A_96, %and3A_109 : vector<16xi32>
        %bitcast3A_111 = vector.bitcast %and3A_110 : vector<16xi32> to vector<16xf32>
        %and3A_112 = vector.broadcast %squeeze3A : i32 to vector<16xi32>
        %and3A_113 = arith.andi %get3A_99, %and3A_112 : vector<16xi32>
        %bitcast3A_114 = vector.bitcast %and3A_113 : vector<16xi32> to vector<16xf32>
        %add3A_115 = arith.addf %bitcast3A_111, %bitcast3A_114 : vector<16xf32>
        %bitcast3A_116 = vector.bitcast %add3A_108 : vector<16xf32> to vector<16xi32>
        %add3A_117 = vector.broadcast %squeeze3A_5 : i32 to vector<16xi32>
        %add3A_118 = arith.addi %bitcast3A_116, %add3A_117 : vector<16xi32>
        %shift_right_logical3A_119 = arith.constant 16 : i32
        %shift_right_logical3A_120 = vector.broadcast %shift_right_logical3A_119 : i32 to vector<16xi32>
        %shift_right_logical3A_121 = arith.shrui %add3A_118, %shift_right_logical3A_120 : vector<16xi32>
        %bitcast3A_122 = vector.bitcast %add3A_115 : vector<16xf32> to vector<16xi32>
        %add3A_123 = vector.broadcast %squeeze3A_5 : i32 to vector<16xi32>
        %add3A_124 = arith.addi %bitcast3A_122, %add3A_123 : vector<16xi32>
        %and3A_125 = vector.broadcast %squeeze3A : i32 to vector<16xi32>
        %and3A_126 = arith.andi %add3A_124, %and3A_125 : vector<16xi32>
        %or3A_127 = arith.ori %shift_right_logical3A_121, %and3A_126 : vector<16xi32>
        %swap3A_128 = arith.index_cast %scan3A_62 : i32 to index
        %swap3A_129 = arith.constant 16 : index
        %swap3A_130 = tpu.vector_load %arg17[%swap3A_128, %swap3A_129] {strides = array<i32>} : memref<128x128xi32, #tpu.memory_space<vmem>>, vector<16xi32>,
        tpu.vector_store %arg17[%swap3A_128, %swap3A_129], %or3A_127 {strides = array<i32>} : memref<128x128xi32, #tpu.memory_space<vmem>>, vector<16xi32>,
        %get3A_131 = arith.index_cast %scan3A_62 : i32 to index
        %get3A_132 = arith.constant 32 : index
        %get3A_133 = tpu.vector_load %arg13[%get3A_131, %get3A_132] {strides = array<i32>} : memref<128x80xi32, #tpu.memory_space<vmem>>, vector<16xi32>,
        %get3A_134 = arith.index_cast %scan3A_62 : i32 to index
        %get3A_135 = arith.constant 32 : index
        %get3A_136 = tpu.vector_load %arg14[%get3A_134, %get3A_135] {strides = array<i32>} : memref<128x80xi32, #tpu.memory_space<vmem>>, vector<16xi32>,
        %shift_left3A_137 = arith.constant 16 : i32
        %shift_left3A_138 = vector.broadcast %shift_left3A_137 : i32 to vector<16xi32>
        %shift_left3A_139 = arith.shli %get3A_133, %shift_left3A_138 : vector<16xi32>
        %bitcast3A_140 = vector.bitcast %shift_left3A_139 : vector<16xi32> to vector<16xf32>
        %shift_left3A_141 = arith.constant 16 : i32
        %shift_left3A_142 = vector.broadcast %shift_left3A_141 : i32 to vector<16xi32>
        %shift_left3A_143 = arith.shli %get3A_136, %shift_left3A_142 : vector<16xi32>
        %bitcast3A_144 = vector.bitcast %shift_left3A_143 : vector<16xi32> to vector<16xf32>
        %add3A_145 = arith.addf %bitcast3A_140, %bitcast3A_144 : vector<16xf32>
        %and3A_146 = vector.broadcast %squeeze3A : i32 to vector<16xi32>
        %and3A_147 = arith.andi %get3A_133, %and3A_146 : vector<16xi32>
        %bitcast3A_148 = vector.bitcast %and3A_147 : vector<16xi32> to vector<16xf32>
        %and3A_149 = vector.broadcast %squeeze3A : i32 to vector<16xi32>
        %and3A_150 = arith.andi %get3A_136, %and3A_149 : vector<16xi32>
        %bitcast3A_151 = vector.bitcast %and3A_150 : vector<16xi32> to vector<16xf32>
        %add3A_152 = arith.addf %bitcast3A_148, %bitcast3A_151 : vector<16xf32>
        %bitcast3A_153 = vector.bitcast %add3A_145 : vector<16xf32> to vector<16xi32>
        %add3A_154 = vector.broadcast %squeeze3A_5 : i32 to vector<16xi32>
        %add3A_155 = arith.addi %bitcast3A_153, %add3A_154 : vector<16xi32>
        %shift_right_logical3A_156 = arith.constant 16 : i32
        %shift_right_logical3A_157 = vector.broadcast %shift_right_logical3A_156 : i32 to vector<16xi32>
        %shift_right_logical3A_158 = arith.shrui %add3A_155, %shift_right_logical3A_157 : vector<16xi32>
        %bitcast3A_159 = vector.bitcast %add3A_152 : vector<16xf32> to vector<16xi32>
        %add3A_160 = vector.broadcast %squeeze3A_5 : i32 to vector<16xi32>
        %add3A_161 = arith.addi %bitcast3A_159, %add3A_160 : vector<16xi32>
        %and3A_162 = vector.broadcast %squeeze3A : i32 to vector<16xi32>
        %and3A_163 = arith.andi %add3A_161, %and3A_162 : vector<16xi32>
        %or3A_164 = arith.ori %shift_right_logical3A_158, %and3A_163 : vector<16xi32>
        %swap3A_165 = arith.index_cast %scan3A_62 : i32 to index
        %swap3A_166 = arith.constant 32 : index
        %swap3A_167 = tpu.vector_load %arg17[%swap3A_165, %swap3A_166] {strides = array<i32>} : memref<128x128xi32, #tpu.memory_space<vmem>>, vector<16xi32>,
        tpu.vector_store %arg17[%swap3A_165, %swap3A_166], %or3A_164 {strides = array<i32>} : memref<128x128xi32, #tpu.memory_space<vmem>>, vector<16xi32>,
        %get3A_168 = arith.index_cast %scan3A_62 : i32 to index
        %get3A_169 = arith.constant 48 : index
        %get3A_170 = tpu.vector_load %arg13[%get3A_168, %get3A_169] {strides = array<i32>} : memref<128x80xi32, #tpu.memory_space<vmem>>, vector<16xi32>,
        %get3A_171 = arith.index_cast %scan3A_62 : i32 to index
        %get3A_172 = arith.constant 48 : index
        %get3A_173 = tpu.vector_load %arg14[%get3A_171, %get3A_172] {strides = array<i32>} : memref<128x80xi32, #tpu.memory_space<vmem>>, vector<16xi32>,
        %shift_left3A_174 = arith.constant 16 : i32
        %shift_left3A_175 = vector.broadcast %shift_left3A_174 : i32 to vector<16xi32>
        %shift_left3A_176 = arith.shli %get3A_170, %shift_left3A_175 : vector<16xi32>
        %bitcast3A_177 = vector.bitcast %shift_left3A_176 : vector<16xi32> to vector<16xf32>
        %shift_left3A_178 = arith.constant 16 : i32
        %shift_left3A_179 = vector.broadcast %shift_left3A_178 : i32 to vector<16xi32>
        %shift_left3A_180 = arith.shli %get3A_173, %shift_left3A_179 : vector<16xi32>
        %bitcast3A_181 = vector.bitcast %shift_left3A_180 : vector<16xi32> to vector<16xf32>
        %add3A_182 = arith.addf %bitcast3A_177, %bitcast3A_181 : vector<16xf32>
        %and3A_183 = vector.broadcast %squeeze3A : i32 to vector<16xi32>
        %and3A_184 = arith.andi %get3A_170, %and3A_183 : vector<16xi32>
        %bitcast3A_185 = vector.bitcast %and3A_184 : vector<16xi32> to vector<16xf32>
        %and3A_186 = vector.broadcast %squeeze3A : i32 to vector<16xi32>
        %and3A_187 = arith.andi %get3A_173, %and3A_186 : vector<16xi32>
        %bitcast3A_188 = vector.bitcast %and3A_187 : vector<16xi32> to vector<16xf32>
        %add3A_189 = arith.addf %bitcast3A_185, %bitcast3A_188 : vector<16xf32>
        %bitcast3A_190 = vector.bitcast %add3A_182 : vector<16xf32> to vector<16xi32>
        %add3A_191 = vector.broadcast %squeeze3A_5 : i32 to vector<16xi32>
        %add3A_192 = arith.addi %bitcast3A_190, %add3A_191 : vector<16xi32>
        %shift_right_logical3A_193 = arith.constant 16 : i32
        %shift_right_logical3A_194 = vector.broadcast %shift_right_logical3A_193 : i32 to vector<16xi32>
        %shift_right_logical3A_195 = arith.shrui %add3A_192, %shift_right_logical3A_194 : vector<16xi32>
        %bitcast3A_196 = vector.bitcast %add3A_189 : vector<16xf32> to vector<16xi32>
        %add3A_197 = vector.broadcast %squeeze3A_5 : i32 to vector<16xi32>
        %add3A_198 = arith.addi %bitcast3A_196, %add3A_197 : vector<16xi32>
        %and3A_199 = vector.broadcast %squeeze3A : i32 to vector<16xi32>
        %and3A_200 = arith.andi %add3A_198, %and3A_199 : vector<16xi32>
        %or3A_201 = arith.ori %shift_right_logical3A_195, %and3A_200 : vector<16xi32>
        %swap3A_202 = arith.index_cast %scan3A_62 : i32 to index
        %swap3A_203 = arith.constant 48 : index
        %swap3A_204 = tpu.vector_load %arg17[%swap3A_202, %swap3A_203] {strides = array<i32>} : memref<128x128xi32, #tpu.memory_space<vmem>>, vector<16xi32>,
        tpu.vector_store %arg17[%swap3A_202, %swap3A_203], %or3A_201 {strides = array<i32>} : memref<128x128xi32, #tpu.memory_space<vmem>>, vector<16xi32>,
        %get3A_205 = arith.index_cast %scan3A_62 : i32 to index
        %get3A_206 = arith.constant 64 : index
        %get3A_207 = tpu.vector_load %arg13[%get3A_205, %get3A_206] {strides = array<i32>} : memref<128x80xi32, #tpu.memory_space<vmem>>, vector<16xi32>,
        %bitcast3A_208 = vector.bitcast %get3A_207 : vector<16xi32> to vector<16xf32>
        %get3A_209 = arith.index_cast %scan3A_62 : i32 to index
        %get3A_210 = arith.constant 64 : index
        %get3A_211 = tpu.vector_load %arg14[%get3A_209, %get3A_210] {strides = array<i32>} : memref<128x80xi32, #tpu.memory_space<vmem>>, vector<16xi32>,
        %bitcast3A_212 = vector.bitcast %get3A_211 : vector<16xi32> to vector<16xf32>
        %sub3A = arith.subf %bitcast3A_208, %bitcast3A_212 : vector<16xf32>
        %bitcast3A_213 = vector.bitcast %sub3A : vector<16xf32> to vector<16xi32>
        %swap3A_214 = arith.index_cast %scan3A_62 : i32 to index
        %swap3A_215 = arith.constant 64 : index
        %swap3A_216 = tpu.vector_load %arg17[%swap3A_214, %swap3A_215] {strides = array<i32>} : memref<128x128xi32, #tpu.memory_space<vmem>>, vector<16xi32>,
        tpu.vector_store %arg17[%swap3A_214, %swap3A_215], %bitcast3A_213 {strides = array<i32>} : memref<128x128xi32, #tpu.memory_space<vmem>>, vector<16xi32>,
      }
      %scan3A_43 = arith.constant 128 : i32
      "tpu.region"() ({
        %run_scoped3A = tpu.sem_alloc : memref<!tpu.dma_semaphore, #tpu.memory_space<semaphore_mem>>
        %dma_start3A_62 = arith.constant 0 : i32
        %dma_start3A_63 = tpu.memref_slice %arg8[%add3A_24, %dma_start3A_62] : memref<327680x128xi32, #tpu.memory_space<hbm>> -> memref<128x128xi32, #tpu.memory_space<hbm>>
        %dma_start3A_64 = arith.constant 0 : i32
        %dma_start3A_65 = tpu.memref_slice %arg8[%add3A_24, %dma_start3A_64] : memref<327680x128xi32, #tpu.memory_space<hbm>> -> memref<128x128xi32, #tpu.memory_space<hbm>>
        tpu.enqueue_dma source(%arg17 : memref<128x128xi32, #tpu.memory_space<vmem>>) target(%dma_start3A_65 : memref<128x128xi32, #tpu.memory_space<hbm>>) target_semaphore(%run_scoped3A : memref<!tpu.dma_semaphore, #tpu.memory_space<semaphore_mem>>)
        %dma_wait3A_66 = arith.constant 0 : i32
        %dma_wait3A_67 = tpu.memref_slice %arg8[%add3A_24, %dma_wait3A_66] : memref<327680x128xi32, #tpu.memory_space<hbm>> -> memref<128x128xi32, #tpu.memory_space<hbm>>
        %dma_wait3A_68 = arith.constant 0 : i32
        %dma_wait3A_69 = tpu.memref_slice %arg8[%add3A_24, %dma_wait3A_68] : memref<327680x128xi32, #tpu.memory_space<hbm>> -> memref<128x128xi32, #tpu.memory_space<hbm>>
        tpu.wait_dma2 semaphore(%run_scoped3A : memref<!tpu.dma_semaphore, #tpu.memory_space<semaphore_mem>>) src(%arg17 : memref<128x128xi32, #tpu.memory_space<vmem>>) dst(%dma_wait3A_69 : memref<128x128xi32, #tpu.memory_space<hbm>>)
        tpu.yield
      }) : () -> ()
      %add3A_44 = arith.constant 1 : i32
      %add3A_45 = arith.addi %scan3A_19, %add3A_44 : i32
      %lt3A = arith.constant 40 : i32
      %lt3A_46 = arith.cmpi slt, %add3A_45, %lt3A : i32
      %convert_element_type3A = arith.extui %lt3A_46 : i1 to i32
      %cond3A = arith.constant 0 : i32
      %cond3A_47 = arith.cmpi ne, %convert_element_type3A, %cond3A : i32
      scf.if %cond3A_47 {
        %add3A_62 = arith.constant 256 : i32
        %add3A_63 = arith.addi %add3A_24, %add3A_62 : i32
        "tpu.region"() ({
          %run_scoped3A = tpu.sem_alloc : memref<!tpu.dma_semaphore, #tpu.memory_space<semaphore_mem>>
          %dma_start3A_70 = tpu.memref_slice %arg4[%add3A_63] : memref<327680xi32, #tpu.memory_space<hbm>> -> memref<128xi32, #tpu.memory_space<hbm>>
          %dma_start3A_71 = tpu.memref_slice %arg4[%add3A_63] : memref<327680xi32, #tpu.memory_space<hbm>> -> memref<128xi32, #tpu.memory_space<hbm>>
          tpu.enqueue_dma source(%dma_start3A_71 : memref<128xi32, #tpu.memory_space<hbm>>) target(%arg9 : memref<128xi32, #tpu.memory_space<vmem>>) target_semaphore(%run_scoped3A : memref<!tpu.dma_semaphore, #tpu.memory_space<semaphore_mem>>)
          %dma_wait3A_72 = tpu.memref_slice %arg4[%add3A_63] : memref<327680xi32, #tpu.memory_space<hbm>> -> memref<128xi32, #tpu.memory_space<hbm>>
          %dma_wait3A_73 = tpu.memref_slice %arg4[%add3A_63] : memref<327680xi32, #tpu.memory_space<hbm>> -> memref<128xi32, #tpu.memory_space<hbm>>
          tpu.wait_dma2 semaphore(%run_scoped3A : memref<!tpu.dma_semaphore, #tpu.memory_space<semaphore_mem>>) src(%dma_wait3A_73 : memref<128xi32, #tpu.memory_space<hbm>>) dst(%arg9 : memref<128xi32, #tpu.memory_space<vmem>>)
          tpu.yield
        }) : () -> ()
        "tpu.region"() ({
          %run_scoped3A = tpu.sem_alloc : memref<!tpu.dma_semaphore, #tpu.memory_space<semaphore_mem>>
          %dma_start3A_70 = tpu.memref_slice %arg5[%add3A_63] : memref<327680xi32, #tpu.memory_space<hbm>> -> memref<128xi32, #tpu.memory_space<hbm>>
          %dma_start3A_71 = tpu.memref_slice %arg5[%add3A_63] : memref<327680xi32, #tpu.memory_space<hbm>> -> memref<128xi32, #tpu.memory_space<hbm>>
          tpu.enqueue_dma source(%dma_start3A_71 : memref<128xi32, #tpu.memory_space<hbm>>) target(%arg10 : memref<128xi32, #tpu.memory_space<vmem>>) target_semaphore(%run_scoped3A : memref<!tpu.dma_semaphore, #tpu.memory_space<semaphore_mem>>)
          %dma_wait3A_72 = tpu.memref_slice %arg5[%add3A_63] : memref<327680xi32, #tpu.memory_space<hbm>> -> memref<128xi32, #tpu.memory_space<hbm>>
          %dma_wait3A_73 = tpu.memref_slice %arg5[%add3A_63] : memref<327680xi32, #tpu.memory_space<hbm>> -> memref<128xi32, #tpu.memory_space<hbm>>
          tpu.wait_dma2 semaphore(%run_scoped3A : memref<!tpu.dma_semaphore, #tpu.memory_space<semaphore_mem>>) src(%dma_wait3A_73 : memref<128xi32, #tpu.memory_space<hbm>>) dst(%arg10 : memref<128xi32, #tpu.memory_space<vmem>>)
          tpu.yield
        }) : () -> ()
        %dma_start3A_64 = arith.constant 0 : i32
        %dma_start3A_65 = arith.constant 0 : i32
        %dma_start3A_66 = tpu.memref_slice %arg2[%dma_start3A_64, %dma_start3A_65] : memref<10000x80xi32, #tpu.memory_space<hbm>> -> memref<10000x80xi32, #tpu.memory_space<hbm>>
        tpu.enqueue_indirect_dma source(%dma_start3A_66 : memref<10000x80xi32, #tpu.memory_space<hbm>>) target(%arg13 : memref<128x80xi32, #tpu.memory_space<vmem>>) offsets(%arg9 : memref<128xi32, #tpu.memory_space<vmem>>) semaphore(%arg19 : memref<!tpu.dma_semaphore, #tpu.memory_space<semaphore_mem>>)
        %dma_start3A_67 = arith.constant 0 : i32
        %dma_start3A_68 = arith.constant 0 : i32
        %dma_start3A_69 = tpu.memref_slice %arg3[%dma_start3A_67, %dma_start3A_68] : memref<10000x80xi32, #tpu.memory_space<hbm>> -> memref<10000x80xi32, #tpu.memory_space<hbm>>
        tpu.enqueue_indirect_dma source(%dma_start3A_69 : memref<10000x80xi32, #tpu.memory_space<hbm>>) target(%arg14 : memref<128x80xi32, #tpu.memory_space<vmem>>) offsets(%arg10 : memref<128xi32, #tpu.memory_space<vmem>>) semaphore(%arg19 : memref<!tpu.dma_semaphore, #tpu.memory_space<semaphore_mem>>)
      } else {
      }
      %dma_wait3A_48 = arith.constant 0 : i32
      %dma_wait3A_49 = arith.constant 0 : i32
      %dma_wait3A_50 = tpu.memref_slice %arg2[%dma_wait3A_48, %dma_wait3A_49] : memref<10000x80xi32, #tpu.memory_space<hbm>> -> memref<10000x80xi32, #tpu.memory_space<hbm>>
      tpu.wait_indirect_dma semaphore(%arg20 : memref<!tpu.dma_semaphore, #tpu.memory_space<semaphore_mem>>) src(%dma_wait3A_50 : memref<10000x80xi32, #tpu.memory_space<hbm>>) dst(%arg15 : memref<128x80xi32, #tpu.memory_space<vmem>>)
      %dma_wait3A_51 = arith.constant 0 : i32
      %dma_wait3A_52 = arith.constant 0 : i32
      %dma_wait3A_53 = tpu.memref_slice %arg3[%dma_wait3A_51, %dma_wait3A_52] : memref<10000x80xi32, #tpu.memory_space<hbm>> -> memref<10000x80xi32, #tpu.memory_space<hbm>>
      tpu.wait_indirect_dma semaphore(%arg20 : memref<!tpu.dma_semaphore, #tpu.memory_space<semaphore_mem>>) src(%dma_wait3A_53 : memref<10000x80xi32, #tpu.memory_space<hbm>>) dst(%arg16 : memref<128x80xi32, #tpu.memory_space<vmem>>)
      %scan3A_54 = arith.constant 0 : i32
      %scan3A_55 = arith.constant 0 : i32
      %scan3A_56 = arith.constant 128 : i32
      %scan3A_57 = arith.addi %scan3A_55, %scan3A_56 : i32
      %scan3A_58 = arith.constant 1 : i32
      scf.for %scan3A_62 = %scan3A_55 to %scan3A_57 step %scan3A_58  : i32 {
        %get3A_63 = arith.index_cast %scan3A_62 : i32 to index
        %get3A_64 = arith.constant 0 : index
        %get3A_65 = tpu.vector_load %arg15[%get3A_63, %get3A_64] {strides = array<i32>} : memref<128x80xi32, #tpu.memory_space<vmem>>, vector<16xi32>,
        %get3A_66 = arith.index_cast %scan3A_62 : i32 to index
        %get3A_67 = arith.constant 0 : index
        %get3A_68 = tpu.vector_load %arg16[%get3A_66, %get3A_67] {strides = array<i32>} : memref<128x80xi32, #tpu.memory_space<vmem>>, vector<16xi32>,
        %shift_left3A = arith.constant 16 : i32
        %shift_left3A_69 = vector.broadcast %shift_left3A : i32 to vector<16xi32>
        %shift_left3A_70 = arith.shli %get3A_65, %shift_left3A_69 : vector<16xi32>
        %bitcast3A = vector.bitcast %shift_left3A_70 : vector<16xi32> to vector<16xf32>
        %shift_left3A_71 = arith.constant 16 : i32
        %shift_left3A_72 = vector.broadcast %shift_left3A_71 : i32 to vector<16xi32>
        %shift_left3A_73 = arith.shli %get3A_68, %shift_left3A_72 : vector<16xi32>
        %bitcast3A_74 = vector.bitcast %shift_left3A_73 : vector<16xi32> to vector<16xf32>
        %add3A_75 = arith.addf %bitcast3A, %bitcast3A_74 : vector<16xf32>
        %and3A = vector.broadcast %squeeze3A : i32 to vector<16xi32>
        %and3A_76 = arith.andi %get3A_65, %and3A : vector<16xi32>
        %bitcast3A_77 = vector.bitcast %and3A_76 : vector<16xi32> to vector<16xf32>
        %and3A_78 = vector.broadcast %squeeze3A : i32 to vector<16xi32>
        %and3A_79 = arith.andi %get3A_68, %and3A_78 : vector<16xi32>
        %bitcast3A_80 = vector.bitcast %and3A_79 : vector<16xi32> to vector<16xf32>
        %add3A_81 = arith.addf %bitcast3A_77, %bitcast3A_80 : vector<16xf32>
        %bitcast3A_82 = vector.bitcast %add3A_75 : vector<16xf32> to vector<16xi32>
        %add3A_83 = vector.broadcast %squeeze3A_5 : i32 to vector<16xi32>
        %add3A_84 = arith.addi %bitcast3A_82, %add3A_83 : vector<16xi32>
        %shift_right_logical3A = arith.constant 16 : i32
        %shift_right_logical3A_85 = vector.broadcast %shift_right_logical3A : i32 to vector<16xi32>
        %shift_right_logical3A_86 = arith.shrui %add3A_84, %shift_right_logical3A_85 : vector<16xi32>
        %bitcast3A_87 = vector.bitcast %add3A_81 : vector<16xf32> to vector<16xi32>
        %add3A_88 = vector.broadcast %squeeze3A_5 : i32 to vector<16xi32>
        %add3A_89 = arith.addi %bitcast3A_87, %add3A_88 : vector<16xi32>
        %and3A_90 = vector.broadcast %squeeze3A : i32 to vector<16xi32>
        %and3A_91 = arith.andi %add3A_89, %and3A_90 : vector<16xi32>
        %or3A = arith.ori %shift_right_logical3A_86, %and3A_91 : vector<16xi32>
        %swap3A = arith.index_cast %scan3A_62 : i32 to index
        %swap3A_92 = arith.constant 0 : index
        %swap3A_93 = tpu.vector_load %arg18[%swap3A, %swap3A_92] {strides = array<i32>} : memref<128x128xi32, #tpu.memory_space<vmem>>, vector<16xi32>,
        tpu.vector_store %arg18[%swap3A, %swap3A_92], %or3A {strides = array<i32>} : memref<128x128xi32, #tpu.memory_space<vmem>>, vector<16xi32>,
        %get3A_94 = arith.index_cast %scan3A_62 : i32 to index
        %get3A_95 = arith.constant 16 : index
        %get3A_96 = tpu.vector_load %arg15[%get3A_94, %get3A_95] {strides = array<i32>} : memref<128x80xi32, #tpu.memory_space<vmem>>, vector<16xi32>,
        %get3A_97 = arith.index_cast %scan3A_62 : i32 to index
        %get3A_98 = arith.constant 16 : index
        %get3A_99 = tpu.vector_load %arg16[%get3A_97, %get3A_98] {strides = array<i32>} : memref<128x80xi32, #tpu.memory_space<vmem>>, vector<16xi32>,
        %shift_left3A_100 = arith.constant 16 : i32
        %shift_left3A_101 = vector.broadcast %shift_left3A_100 : i32 to vector<16xi32>
        %shift_left3A_102 = arith.shli %get3A_96, %shift_left3A_101 : vector<16xi32>
        %bitcast3A_103 = vector.bitcast %shift_left3A_102 : vector<16xi32> to vector<16xf32>
        %shift_left3A_104 = arith.constant 16 : i32
        %shift_left3A_105 = vector.broadcast %shift_left3A_104 : i32 to vector<16xi32>
        %shift_left3A_106 = arith.shli %get3A_99, %shift_left3A_105 : vector<16xi32>
        %bitcast3A_107 = vector.bitcast %shift_left3A_106 : vector<16xi32> to vector<16xf32>
        %add3A_108 = arith.addf %bitcast3A_103, %bitcast3A_107 : vector<16xf32>
        %and3A_109 = vector.broadcast %squeeze3A : i32 to vector<16xi32>
        %and3A_110 = arith.andi %get3A_96, %and3A_109 : vector<16xi32>
        %bitcast3A_111 = vector.bitcast %and3A_110 : vector<16xi32> to vector<16xf32>
        %and3A_112 = vector.broadcast %squeeze3A : i32 to vector<16xi32>
        %and3A_113 = arith.andi %get3A_99, %and3A_112 : vector<16xi32>
        %bitcast3A_114 = vector.bitcast %and3A_113 : vector<16xi32> to vector<16xf32>
        %add3A_115 = arith.addf %bitcast3A_111, %bitcast3A_114 : vector<16xf32>
        %bitcast3A_116 = vector.bitcast %add3A_108 : vector<16xf32> to vector<16xi32>
        %add3A_117 = vector.broadcast %squeeze3A_5 : i32 to vector<16xi32>
        %add3A_118 = arith.addi %bitcast3A_116, %add3A_117 : vector<16xi32>
        %shift_right_logical3A_119 = arith.constant 16 : i32
        %shift_right_logical3A_120 = vector.broadcast %shift_right_logical3A_119 : i32 to vector<16xi32>
        %shift_right_logical3A_121 = arith.shrui %add3A_118, %shift_right_logical3A_120 : vector<16xi32>
        %bitcast3A_122 = vector.bitcast %add3A_115 : vector<16xf32> to vector<16xi32>
        %add3A_123 = vector.broadcast %squeeze3A_5 : i32 to vector<16xi32>
        %add3A_124 = arith.addi %bitcast3A_122, %add3A_123 : vector<16xi32>
        %and3A_125 = vector.broadcast %squeeze3A : i32 to vector<16xi32>
        %and3A_126 = arith.andi %add3A_124, %and3A_125 : vector<16xi32>
        %or3A_127 = arith.ori %shift_right_logical3A_121, %and3A_126 : vector<16xi32>
        %swap3A_128 = arith.index_cast %scan3A_62 : i32 to index
        %swap3A_129 = arith.constant 16 : index
        %swap3A_130 = tpu.vector_load %arg18[%swap3A_128, %swap3A_129] {strides = array<i32>} : memref<128x128xi32, #tpu.memory_space<vmem>>, vector<16xi32>,
        tpu.vector_store %arg18[%swap3A_128, %swap3A_129], %or3A_127 {strides = array<i32>} : memref<128x128xi32, #tpu.memory_space<vmem>>, vector<16xi32>,
        %get3A_131 = arith.index_cast %scan3A_62 : i32 to index
        %get3A_132 = arith.constant 32 : index
        %get3A_133 = tpu.vector_load %arg15[%get3A_131, %get3A_132] {strides = array<i32>} : memref<128x80xi32, #tpu.memory_space<vmem>>, vector<16xi32>,
        %get3A_134 = arith.index_cast %scan3A_62 : i32 to index
        %get3A_135 = arith.constant 32 : index
        %get3A_136 = tpu.vector_load %arg16[%get3A_134, %get3A_135] {strides = array<i32>} : memref<128x80xi32, #tpu.memory_space<vmem>>, vector<16xi32>,
        %shift_left3A_137 = arith.constant 16 : i32
        %shift_left3A_138 = vector.broadcast %shift_left3A_137 : i32 to vector<16xi32>
        %shift_left3A_139 = arith.shli %get3A_133, %shift_left3A_138 : vector<16xi32>
        %bitcast3A_140 = vector.bitcast %shift_left3A_139 : vector<16xi32> to vector<16xf32>
        %shift_left3A_141 = arith.constant 16 : i32
        %shift_left3A_142 = vector.broadcast %shift_left3A_141 : i32 to vector<16xi32>
        %shift_left3A_143 = arith.shli %get3A_136, %shift_left3A_142 : vector<16xi32>
        %bitcast3A_144 = vector.bitcast %shift_left3A_143 : vector<16xi32> to vector<16xf32>
        %add3A_145 = arith.addf %bitcast3A_140, %bitcast3A_144 : vector<16xf32>
        %and3A_146 = vector.broadcast %squeeze3A : i32 to vector<16xi32>
        %and3A_147 = arith.andi %get3A_133, %and3A_146 : vector<16xi32>
        %bitcast3A_148 = vector.bitcast %and3A_147 : vector<16xi32> to vector<16xf32>
        %and3A_149 = vector.broadcast %squeeze3A : i32 to vector<16xi32>
        %and3A_150 = arith.andi %get3A_136, %and3A_149 : vector<16xi32>
        %bitcast3A_151 = vector.bitcast %and3A_150 : vector<16xi32> to vector<16xf32>
        %add3A_152 = arith.addf %bitcast3A_148, %bitcast3A_151 : vector<16xf32>
        %bitcast3A_153 = vector.bitcast %add3A_145 : vector<16xf32> to vector<16xi32>
        %add3A_154 = vector.broadcast %squeeze3A_5 : i32 to vector<16xi32>
        %add3A_155 = arith.addi %bitcast3A_153, %add3A_154 : vector<16xi32>
        %shift_right_logical3A_156 = arith.constant 16 : i32
        %shift_right_logical3A_157 = vector.broadcast %shift_right_logical3A_156 : i32 to vector<16xi32>
        %shift_right_logical3A_158 = arith.shrui %add3A_155, %shift_right_logical3A_157 : vector<16xi32>
        %bitcast3A_159 = vector.bitcast %add3A_152 : vector<16xf32> to vector<16xi32>
        %add3A_160 = vector.broadcast %squeeze3A_5 : i32 to vector<16xi32>
        %add3A_161 = arith.addi %bitcast3A_159, %add3A_160 : vector<16xi32>
        %and3A_162 = vector.broadcast %squeeze3A : i32 to vector<16xi32>
        %and3A_163 = arith.andi %add3A_161, %and3A_162 : vector<16xi32>
        %or3A_164 = arith.ori %shift_right_logical3A_158, %and3A_163 : vector<16xi32>
        %swap3A_165 = arith.index_cast %scan3A_62 : i32 to index
        %swap3A_166 = arith.constant 32 : index
        %swap3A_167 = tpu.vector_load %arg18[%swap3A_165, %swap3A_166] {strides = array<i32>} : memref<128x128xi32, #tpu.memory_space<vmem>>, vector<16xi32>,
        tpu.vector_store %arg18[%swap3A_165, %swap3A_166], %or3A_164 {strides = array<i32>} : memref<128x128xi32, #tpu.memory_space<vmem>>, vector<16xi32>,
        %get3A_168 = arith.index_cast %scan3A_62 : i32 to index
        %get3A_169 = arith.constant 48 : index
        %get3A_170 = tpu.vector_load %arg15[%get3A_168, %get3A_169] {strides = array<i32>} : memref<128x80xi32, #tpu.memory_space<vmem>>, vector<16xi32>,
        %get3A_171 = arith.index_cast %scan3A_62 : i32 to index
        %get3A_172 = arith.constant 48 : index
        %get3A_173 = tpu.vector_load %arg16[%get3A_171, %get3A_172] {strides = array<i32>} : memref<128x80xi32, #tpu.memory_space<vmem>>, vector<16xi32>,
        %shift_left3A_174 = arith.constant 16 : i32
        %shift_left3A_175 = vector.broadcast %shift_left3A_174 : i32 to vector<16xi32>
        %shift_left3A_176 = arith.shli %get3A_170, %shift_left3A_175 : vector<16xi32>
        %bitcast3A_177 = vector.bitcast %shift_left3A_176 : vector<16xi32> to vector<16xf32>
        %shift_left3A_178 = arith.constant 16 : i32
        %shift_left3A_179 = vector.broadcast %shift_left3A_178 : i32 to vector<16xi32>
        %shift_left3A_180 = arith.shli %get3A_173, %shift_left3A_179 : vector<16xi32>
        %bitcast3A_181 = vector.bitcast %shift_left3A_180 : vector<16xi32> to vector<16xf32>
        %add3A_182 = arith.addf %bitcast3A_177, %bitcast3A_181 : vector<16xf32>
        %and3A_183 = vector.broadcast %squeeze3A : i32 to vector<16xi32>
        %and3A_184 = arith.andi %get3A_170, %and3A_183 : vector<16xi32>
        %bitcast3A_185 = vector.bitcast %and3A_184 : vector<16xi32> to vector<16xf32>
        %and3A_186 = vector.broadcast %squeeze3A : i32 to vector<16xi32>
        %and3A_187 = arith.andi %get3A_173, %and3A_186 : vector<16xi32>
        %bitcast3A_188 = vector.bitcast %and3A_187 : vector<16xi32> to vector<16xf32>
        %add3A_189 = arith.addf %bitcast3A_185, %bitcast3A_188 : vector<16xf32>
        %bitcast3A_190 = vector.bitcast %add3A_182 : vector<16xf32> to vector<16xi32>
        %add3A_191 = vector.broadcast %squeeze3A_5 : i32 to vector<16xi32>
        %add3A_192 = arith.addi %bitcast3A_190, %add3A_191 : vector<16xi32>
        %shift_right_logical3A_193 = arith.constant 16 : i32
        %shift_right_logical3A_194 = vector.broadcast %shift_right_logical3A_193 : i32 to vector<16xi32>
        %shift_right_logical3A_195 = arith.shrui %add3A_192, %shift_right_logical3A_194 : vector<16xi32>
        %bitcast3A_196 = vector.bitcast %add3A_189 : vector<16xf32> to vector<16xi32>
        %add3A_197 = vector.broadcast %squeeze3A_5 : i32 to vector<16xi32>
        %add3A_198 = arith.addi %bitcast3A_196, %add3A_197 : vector<16xi32>
        %and3A_199 = vector.broadcast %squeeze3A : i32 to vector<16xi32>
        %and3A_200 = arith.andi %add3A_198, %and3A_199 : vector<16xi32>
        %or3A_201 = arith.ori %shift_right_logical3A_195, %and3A_200 : vector<16xi32>
        %swap3A_202 = arith.index_cast %scan3A_62 : i32 to index
        %swap3A_203 = arith.constant 48 : index
        %swap3A_204 = tpu.vector_load %arg18[%swap3A_202, %swap3A_203] {strides = array<i32>} : memref<128x128xi32, #tpu.memory_space<vmem>>, vector<16xi32>,
        tpu.vector_store %arg18[%swap3A_202, %swap3A_203], %or3A_201 {strides = array<i32>} : memref<128x128xi32, #tpu.memory_space<vmem>>, vector<16xi32>,
        %get3A_205 = arith.index_cast %scan3A_62 : i32 to index
        %get3A_206 = arith.constant 64 : index
        %get3A_207 = tpu.vector_load %arg15[%get3A_205, %get3A_206] {strides = array<i32>} : memref<128x80xi32, #tpu.memory_space<vmem>>, vector<16xi32>,
        %bitcast3A_208 = vector.bitcast %get3A_207 : vector<16xi32> to vector<16xf32>
        %get3A_209 = arith.index_cast %scan3A_62 : i32 to index
        %get3A_210 = arith.constant 64 : index
        %get3A_211 = tpu.vector_load %arg16[%get3A_209, %get3A_210] {strides = array<i32>} : memref<128x80xi32, #tpu.memory_space<vmem>>, vector<16xi32>,
        %bitcast3A_212 = vector.bitcast %get3A_211 : vector<16xi32> to vector<16xf32>
        %sub3A = arith.subf %bitcast3A_208, %bitcast3A_212 : vector<16xf32>
        %bitcast3A_213 = vector.bitcast %sub3A : vector<16xf32> to vector<16xi32>
        %swap3A_214 = arith.index_cast %scan3A_62 : i32 to index
        %swap3A_215 = arith.constant 64 : index
        %swap3A_216 = tpu.vector_load %arg18[%swap3A_214, %swap3A_215] {strides = array<i32>} : memref<128x128xi32, #tpu.memory_space<vmem>>, vector<16xi32>,
        tpu.vector_store %arg18[%swap3A_214, %swap3A_215], %bitcast3A_213 {strides = array<i32>} : memref<128x128xi32, #tpu.memory_space<vmem>>, vector<16xi32>,
      }
      %scan3A_59 = arith.constant 128 : i32
      %add3A_60 = arith.constant 128 : i32
      %add3A_61 = arith.addi %add3A_24, %add3A_60 : i32
      "tpu.region"() ({
        %run_scoped3A = tpu.sem_alloc : memref<!tpu.dma_semaphore, #tpu.memory_space<semaphore_mem>>
        %dma_start3A_62 = arith.constant 0 : i32
        %dma_start3A_63 = tpu.memref_slice %arg8[%add3A_61, %dma_start3A_62] : memref<327680x128xi32, #tpu.memory_space<hbm>> -> memref<128x128xi32, #tpu.memory_space<hbm>>
        %dma_start3A_64 = arith.constant 0 : i32
        %dma_start3A_65 = tpu.memref_slice %arg8[%add3A_61, %dma_start3A_64] : memref<327680x128xi32, #tpu.memory_space<hbm>> -> memref<128x128xi32, #tpu.memory_space<hbm>>
        tpu.enqueue_dma source(%arg18 : memref<128x128xi32, #tpu.memory_space<vmem>>) target(%dma_start3A_65 : memref<128x128xi32, #tpu.memory_space<hbm>>) target_semaphore(%run_scoped3A : memref<!tpu.dma_semaphore, #tpu.memory_space<semaphore_mem>>)
        %dma_wait3A_66 = arith.constant 0 : i32
        %dma_wait3A_67 = tpu.memref_slice %arg8[%add3A_61, %dma_wait3A_66] : memref<327680x128xi32, #tpu.memory_space<hbm>> -> memref<128x128xi32, #tpu.memory_space<hbm>>
        %dma_wait3A_68 = arith.constant 0 : i32
        %dma_wait3A_69 = tpu.memref_slice %arg8[%add3A_61, %dma_wait3A_68] : memref<327680x128xi32, #tpu.memory_space<hbm>> -> memref<128x128xi32, #tpu.memory_space<hbm>>
        tpu.wait_dma2 semaphore(%run_scoped3A : memref<!tpu.dma_semaphore, #tpu.memory_space<semaphore_mem>>) src(%arg18 : memref<128x128xi32, #tpu.memory_space<vmem>>) dst(%dma_wait3A_69 : memref<128x128xi32, #tpu.memory_space<hbm>>)
        tpu.yield
      }) : () -> ()
    }
    %scan3A_18 = arith.constant 40 : i32
    return
  }
}

#map = affine_map<(d0, d1) -> (0, 0)>
#map1 = affine_map<(d0, d1) -> (0)>
#map2 = affine_map<(d0, d1) -> (0, 0, 0)>
module attributes {stable_mosaic.version = 14 : i64} {
  func.func @k3(%arg0: i32, %arg1: i32, %arg2: memref<327680x128xf32, #tpu.memory_space<hbm>>, %arg3: memref<327680x128xf32, #tpu.memory_space<hbm>>, %arg4: memref<327680xi32, #tpu.memory_space<hbm>>, %arg5: memref<2x10240x128xf32, #tpu.memory_space<hbm>>, %arg6: memref<2x10240x16xf32, #tpu.memory_space<hbm>>, %arg7: memref<64xi32, #tpu.memory_space<vmem>>, %arg8: memref<64xi32, #tpu.memory_space<vmem>>, %arg9: memref<64x128xf32, #tpu.memory_space<vmem>>, %arg10: memref<64x128xf32, #tpu.memory_space<vmem>>, %arg11: memref<64x16xf32, #tpu.memory_space<vmem>>, %arg12: memref<64x16xf32, #tpu.memory_space<vmem>>, %arg13: memref<64x128xf32, #tpu.memory_space<vmem>>, %arg14: memref<64x16xf32, #tpu.memory_space<vmem>>, %arg15: memref<10240x128xf32, #tpu.memory_space<vmem_shared>>, %arg16: memref<10240x16xf32, #tpu.memory_space<vmem_shared>>, %arg17: memref<!tpu.dma_semaphore, #tpu.memory_space<semaphore_mem>>, %arg18: memref<!tpu.dma_semaphore, #tpu.memory_space<semaphore_mem>>) attributes {dimension_semantics = [#tpu.dimension_semantics<core_parallel>, #tpu.dimension_semantics<subcore_parallel>], iteration_bounds = array<i64: 2, 16>, scalar_prefetch = 0 : i64, scratch_operands = 12 : i64, tpu.core_type = #tpu.core_type<sc_vector_subcore>, window_params = [{transform_indices = #map}, {transform_indices = #map}, {transform_indices = #map1}, {transform_indices = #map2}, {transform_indices = #map2}]} {
    %mul3A = arith.constant 163840 : i32
    %mul3A_0 = arith.muli %arg0, %mul3A : i32
    %mul3A_1 = arith.constant 10240 : i32
    %mul3A_2 = arith.muli %arg1, %mul3A_1 : i32
    %add3A = arith.addi %mul3A_0, %mul3A_2 : i32
    %broadcast_in_dim3A = arith.constant 0.000000e+00 : f32
    %broadcast_in_dim3A_3 = vector.broadcast %broadcast_in_dim3A : f32 to vector<16xf32>
    %scan3A = arith.constant 0 : i32
    %scan3A_4 = arith.constant 0 : i32
    %scan3A_5 = arith.constant 64 : i32
    %scan3A_6 = arith.addi %scan3A_4, %scan3A_5 : i32
    %scan3A_7 = arith.constant 1 : i32
    scf.for %scan3A_37 = %scan3A_4 to %scan3A_6 step %scan3A_7  : i32 {
      %swap3A = arith.index_cast %scan3A_37 : i32 to index
      %swap3A_38 = arith.constant 0 : index
      %swap3A_39 = tpu.vector_load %arg13[%swap3A, %swap3A_38] {strides = array<i32>} : memref<64x128xf32, #tpu.memory_space<vmem>>, vector<1x16xf32>,
      %swap3A_40 = vector.shape_cast %swap3A_39 : vector<1x16xf32> to vector<16xf32>
      %swap3A_41 = vector.shape_cast %broadcast_in_dim3A_3 : vector<16xf32> to vector<1x16xf32>
      tpu.vector_store %arg13[%swap3A, %swap3A_38], %swap3A_41 {strides = array<i32>} : memref<64x128xf32, #tpu.memory_space<vmem>>, vector<1x16xf32>,
      %swap3A_42 = arith.index_cast %scan3A_37 : i32 to index
      %swap3A_43 = arith.constant 16 : index
      %swap3A_44 = tpu.vector_load %arg13[%swap3A_42, %swap3A_43] {strides = array<i32>} : memref<64x128xf32, #tpu.memory_space<vmem>>, vector<1x16xf32>,
      %swap3A_45 = vector.shape_cast %swap3A_44 : vector<1x16xf32> to vector<16xf32>
      %swap3A_46 = vector.shape_cast %broadcast_in_dim3A_3 : vector<16xf32> to vector<1x16xf32>
      tpu.vector_store %arg13[%swap3A_42, %swap3A_43], %swap3A_46 {strides = array<i32>} : memref<64x128xf32, #tpu.memory_space<vmem>>, vector<1x16xf32>,
      %swap3A_47 = arith.index_cast %scan3A_37 : i32 to index
      %swap3A_48 = arith.constant 32 : index
      %swap3A_49 = tpu.vector_load %arg13[%swap3A_47, %swap3A_48] {strides = array<i32>} : memref<64x128xf32, #tpu.memory_space<vmem>>, vector<1x16xf32>,
      %swap3A_50 = vector.shape_cast %swap3A_49 : vector<1x16xf32> to vector<16xf32>
      %swap3A_51 = vector.shape_cast %broadcast_in_dim3A_3 : vector<16xf32> to vector<1x16xf32>
      tpu.vector_store %arg13[%swap3A_47, %swap3A_48], %swap3A_51 {strides = array<i32>} : memref<64x128xf32, #tpu.memory_space<vmem>>, vector<1x16xf32>,
      %swap3A_52 = arith.index_cast %scan3A_37 : i32 to index
      %swap3A_53 = arith.constant 48 : index
      %swap3A_54 = tpu.vector_load %arg13[%swap3A_52, %swap3A_53] {strides = array<i32>} : memref<64x128xf32, #tpu.memory_space<vmem>>, vector<1x16xf32>,
      %swap3A_55 = vector.shape_cast %swap3A_54 : vector<1x16xf32> to vector<16xf32>
      %swap3A_56 = vector.shape_cast %broadcast_in_dim3A_3 : vector<16xf32> to vector<1x16xf32>
      tpu.vector_store %arg13[%swap3A_52, %swap3A_53], %swap3A_56 {strides = array<i32>} : memref<64x128xf32, #tpu.memory_space<vmem>>, vector<1x16xf32>,
      %swap3A_57 = arith.index_cast %scan3A_37 : i32 to index
      %swap3A_58 = arith.constant 64 : index
      %swap3A_59 = tpu.vector_load %arg13[%swap3A_57, %swap3A_58] {strides = array<i32>} : memref<64x128xf32, #tpu.memory_space<vmem>>, vector<1x16xf32>,
      %swap3A_60 = vector.shape_cast %swap3A_59 : vector<1x16xf32> to vector<16xf32>
      %swap3A_61 = vector.shape_cast %broadcast_in_dim3A_3 : vector<16xf32> to vector<1x16xf32>
      tpu.vector_store %arg13[%swap3A_57, %swap3A_58], %swap3A_61 {strides = array<i32>} : memref<64x128xf32, #tpu.memory_space<vmem>>, vector<1x16xf32>,
      %swap3A_62 = arith.index_cast %scan3A_37 : i32 to index
      %swap3A_63 = arith.constant 80 : index
      %swap3A_64 = tpu.vector_load %arg13[%swap3A_62, %swap3A_63] {strides = array<i32>} : memref<64x128xf32, #tpu.memory_space<vmem>>, vector<1x16xf32>,
      %swap3A_65 = vector.shape_cast %swap3A_64 : vector<1x16xf32> to vector<16xf32>
      %swap3A_66 = vector.shape_cast %broadcast_in_dim3A_3 : vector<16xf32> to vector<1x16xf32>
      tpu.vector_store %arg13[%swap3A_62, %swap3A_63], %swap3A_66 {strides = array<i32>} : memref<64x128xf32, #tpu.memory_space<vmem>>, vector<1x16xf32>,
      %swap3A_67 = arith.index_cast %scan3A_37 : i32 to index
      %swap3A_68 = arith.constant 96 : index
      %swap3A_69 = tpu.vector_load %arg13[%swap3A_67, %swap3A_68] {strides = array<i32>} : memref<64x128xf32, #tpu.memory_space<vmem>>, vector<1x16xf32>,
      %swap3A_70 = vector.shape_cast %swap3A_69 : vector<1x16xf32> to vector<16xf32>
      %swap3A_71 = vector.shape_cast %broadcast_in_dim3A_3 : vector<16xf32> to vector<1x16xf32>
      tpu.vector_store %arg13[%swap3A_67, %swap3A_68], %swap3A_71 {strides = array<i32>} : memref<64x128xf32, #tpu.memory_space<vmem>>, vector<1x16xf32>,
      %swap3A_72 = arith.index_cast %scan3A_37 : i32 to index
      %swap3A_73 = arith.constant 112 : index
      %swap3A_74 = tpu.vector_load %arg13[%swap3A_72, %swap3A_73] {strides = array<i32>} : memref<64x128xf32, #tpu.memory_space<vmem>>, vector<1x16xf32>,
      %swap3A_75 = vector.shape_cast %swap3A_74 : vector<1x16xf32> to vector<16xf32>
      %swap3A_76 = vector.shape_cast %broadcast_in_dim3A_3 : vector<16xf32> to vector<1x16xf32>
      tpu.vector_store %arg13[%swap3A_72, %swap3A_73], %swap3A_76 {strides = array<i32>} : memref<64x128xf32, #tpu.memory_space<vmem>>, vector<1x16xf32>,
      %swap3A_77 = arith.index_cast %scan3A_37 : i32 to index
      %swap3A_78 = arith.constant 0 : index
      %swap3A_79 = tpu.vector_load %arg14[%swap3A_77, %swap3A_78] {strides = array<i32>} : memref<64x16xf32, #tpu.memory_space<vmem>>, vector<1x16xf32>,
      %swap3A_80 = vector.shape_cast %swap3A_79 : vector<1x16xf32> to vector<16xf32>
      %swap3A_81 = vector.shape_cast %broadcast_in_dim3A_3 : vector<16xf32> to vector<1x16xf32>
      tpu.vector_store %arg14[%swap3A_77, %swap3A_78], %swap3A_81 {strides = array<i32>} : memref<64x16xf32, #tpu.memory_space<vmem>>, vector<1x16xf32>,
    }
    %scan3A_8 = arith.constant 64 : i32
    %scan3A_9 = arith.constant 0 : i32
    %scan3A_10 = arith.constant 0 : i32
    %scan3A_11 = arith.constant 10 : i32
    %scan3A_12 = arith.addi %scan3A_10, %scan3A_11 : i32
    %scan3A_13 = arith.constant 1 : i32
    scf.for %scan3A_37 = %scan3A_10 to %scan3A_12 step %scan3A_13  : i32 {
      %mul3A_38 = arith.constant 640 : i32
      %mul3A_39 = arith.muli %arg1, %mul3A_38 : i32
      %mul3A_40 = arith.constant 64 : i32
      %mul3A_41 = arith.muli %scan3A_37, %mul3A_40 : i32
      %add3A_42 = arith.addi %mul3A_39, %mul3A_41 : i32
      "tpu.region"() ({
        %run_scoped3A = tpu.sem_alloc : memref<!tpu.dma_semaphore, #tpu.memory_space<semaphore_mem>>
        %dma_start3A_48 = arith.constant 0 : i32
        %dma_start3A_49 = tpu.memref_slice %arg15[%add3A_42, %dma_start3A_48] : memref<10240x128xf32, #tpu.memory_space<vmem_shared>> -> memref<64x128xf32, #tpu.memory_space<vmem_shared>>
        %dma_start3A_50 = arith.constant 0 : i32
        %dma_start3A_51 = tpu.memref_slice %arg15[%add3A_42, %dma_start3A_50] : memref<10240x128xf32, #tpu.memory_space<vmem_shared>> -> memref<64x128xf32, #tpu.memory_space<vmem_shared>>
        tpu.enqueue_dma source(%arg13 : memref<64x128xf32, #tpu.memory_space<vmem>>) target(%dma_start3A_51 : memref<64x128xf32, #tpu.memory_space<vmem_shared>>) target_semaphore(%run_scoped3A : memref<!tpu.dma_semaphore, #tpu.memory_space<semaphore_mem>>)
        %dma_wait3A = arith.constant 0 : i32
        %dma_wait3A_52 = tpu.memref_slice %arg15[%add3A_42, %dma_wait3A] : memref<10240x128xf32, #tpu.memory_space<vmem_shared>> -> memref<64x128xf32, #tpu.memory_space<vmem_shared>>
        %dma_wait3A_53 = arith.constant 0 : i32
        %dma_wait3A_54 = tpu.memref_slice %arg15[%add3A_42, %dma_wait3A_53] : memref<10240x128xf32, #tpu.memory_space<vmem_shared>> -> memref<64x128xf32, #tpu.memory_space<vmem_shared>>
        tpu.wait_dma2 semaphore(%run_scoped3A : memref<!tpu.dma_semaphore, #tpu.memory_space<semaphore_mem>>) src(%arg13 : memref<64x128xf32, #tpu.memory_space<vmem>>) dst(%dma_wait3A_54 : memref<64x128xf32, #tpu.memory_space<vmem_shared>>)
        tpu.yield
      }) : () -> ()
      %mul3A_43 = arith.constant 640 : i32
      %mul3A_44 = arith.muli %arg1, %mul3A_43 : i32
      %mul3A_45 = arith.constant 64 : i32
      %mul3A_46 = arith.muli %scan3A_37, %mul3A_45 : i32
      %add3A_47 = arith.addi %mul3A_44, %mul3A_46 : i32
      "tpu.region"() ({
        %run_scoped3A = tpu.sem_alloc : memref<!tpu.dma_semaphore, #tpu.memory_space<semaphore_mem>>
        %dma_start3A_48 = arith.constant 0 : i32
        %dma_start3A_49 = tpu.memref_slice %arg16[%add3A_47, %dma_start3A_48] : memref<10240x16xf32, #tpu.memory_space<vmem_shared>> -> memref<64x16xf32, #tpu.memory_space<vmem_shared>>
        %dma_start3A_50 = arith.constant 0 : i32
        %dma_start3A_51 = tpu.memref_slice %arg16[%add3A_47, %dma_start3A_50] : memref<10240x16xf32, #tpu.memory_space<vmem_shared>> -> memref<64x16xf32, #tpu.memory_space<vmem_shared>>
        tpu.enqueue_dma source(%arg14 : memref<64x16xf32, #tpu.memory_space<vmem>>) target(%dma_start3A_51 : memref<64x16xf32, #tpu.memory_space<vmem_shared>>) target_semaphore(%run_scoped3A : memref<!tpu.dma_semaphore, #tpu.memory_space<semaphore_mem>>)
        %dma_wait3A = arith.constant 0 : i32
        %dma_wait3A_52 = tpu.memref_slice %arg16[%add3A_47, %dma_wait3A] : memref<10240x16xf32, #tpu.memory_space<vmem_shared>> -> memref<64x16xf32, #tpu.memory_space<vmem_shared>>
        %dma_wait3A_53 = arith.constant 0 : i32
        %dma_wait3A_54 = tpu.memref_slice %arg16[%add3A_47, %dma_wait3A_53] : memref<10240x16xf32, #tpu.memory_space<vmem_shared>> -> memref<64x16xf32, #tpu.memory_space<vmem_shared>>
        tpu.wait_dma2 semaphore(%run_scoped3A : memref<!tpu.dma_semaphore, #tpu.memory_space<semaphore_mem>>) src(%arg14 : memref<64x16xf32, #tpu.memory_space<vmem>>) dst(%dma_wait3A_54 : memref<64x16xf32, #tpu.memory_space<vmem_shared>>)
        tpu.yield
      }) : () -> ()
    }
    %scan3A_14 = arith.constant 10 : i32
    %barrier3A = arith.constant 0 : index
    tpu.barrier barrier_id(%barrier3A)
    %dma_start3A = tpu.memref_slice %arg4[%add3A] : memref<327680xi32, #tpu.memory_space<hbm>> -> memref<64xi32, #tpu.memory_space<hbm>>
    %dma_start3A_15 = tpu.memref_slice %arg4[%add3A] : memref<327680xi32, #tpu.memory_space<hbm>> -> memref<64xi32, #tpu.memory_space<hbm>>
    tpu.enqueue_dma source(%dma_start3A_15 : memref<64xi32, #tpu.memory_space<hbm>>) target(%arg7 : memref<64xi32, #tpu.memory_space<vmem>>) target_semaphore(%arg17 : memref<!tpu.dma_semaphore, #tpu.memory_space<semaphore_mem>>)
    %dma_start3A_16 = arith.constant 0 : i32
    %dma_start3A_17 = tpu.memref_slice %arg2[%add3A, %dma_start3A_16] : memref<327680x128xf32, #tpu.memory_space<hbm>> -> memref<64x128xf32, #tpu.memory_space<hbm>>
    %dma_start3A_18 = arith.constant 0 : i32
    %dma_start3A_19 = tpu.memref_slice %arg2[%add3A, %dma_start3A_18] : memref<327680x128xf32, #tpu.memory_space<hbm>> -> memref<64x128xf32, #tpu.memory_space<hbm>>
    tpu.enqueue_dma source(%dma_start3A_19 : memref<64x128xf32, #tpu.memory_space<hbm>>) target(%arg9 : memref<64x128xf32, #tpu.memory_space<vmem>>) target_semaphore(%arg17 : memref<!tpu.dma_semaphore, #tpu.memory_space<semaphore_mem>>)
    %dma_start3A_20 = arith.constant 0 : i32
    %dma_start3A_21 = tpu.memref_slice %arg3[%add3A, %dma_start3A_20] : memref<327680x128xf32, #tpu.memory_space<hbm>> -> memref<64x16xf32, #tpu.memory_space<hbm>>
    %dma_start3A_22 = arith.constant 0 : i32
    %dma_start3A_23 = tpu.memref_slice %arg3[%add3A, %dma_start3A_22] : memref<327680x128xf32, #tpu.memory_space<hbm>> -> memref<64x16xf32, #tpu.memory_space<hbm>>
    tpu.enqueue_dma source(%dma_start3A_23 : memref<64x16xf32, #tpu.memory_space<hbm>>) target(%arg11 : memref<64x16xf32, #tpu.memory_space<vmem>>) target_semaphore(%arg17 : memref<!tpu.dma_semaphore, #tpu.memory_space<semaphore_mem>>)
    %scan3A_24 = arith.constant 0 : i32
    %scan3A_25 = arith.constant 0 : i32
    %scan3A_26 = arith.constant 80 : i32
    %scan3A_27 = arith.addi %scan3A_25, %scan3A_26 : i32
    %scan3A_28 = arith.constant 1 : i32
    scf.for %scan3A_37 = %scan3A_25 to %scan3A_27 step %scan3A_28  : i32 {
      %mul3A_38 = arith.constant 2 : i32
      %mul3A_39 = arith.muli %mul3A_38, %scan3A_37 : i32
      %mul3A_40 = arith.constant 64 : i32
      %mul3A_41 = arith.muli %mul3A_39, %mul3A_40 : i32
      %add3A_42 = arith.addi %add3A, %mul3A_41 : i32
      %add3A_43 = arith.constant 64 : i32
      %add3A_44 = arith.addi %add3A_42, %add3A_43 : i32
      %dma_start3A_45 = tpu.memref_slice %arg4[%add3A_44] : memref<327680xi32, #tpu.memory_space<hbm>> -> memref<64xi32, #tpu.memory_space<hbm>>
      %dma_start3A_46 = tpu.memref_slice %arg4[%add3A_44] : memref<327680xi32, #tpu.memory_space<hbm>> -> memref<64xi32, #tpu.memory_space<hbm>>
      tpu.enqueue_dma source(%dma_start3A_46 : memref<64xi32, #tpu.memory_space<hbm>>) target(%arg8 : memref<64xi32, #tpu.memory_space<vmem>>) target_semaphore(%arg18 : memref<!tpu.dma_semaphore, #tpu.memory_space<semaphore_mem>>)
      %dma_start3A_47 = arith.constant 0 : i32
      %dma_start3A_48 = tpu.memref_slice %arg2[%add3A_44, %dma_start3A_47] : memref<327680x128xf32, #tpu.memory_space<hbm>> -> memref<64x128xf32, #tpu.memory_space<hbm>>
      %dma_start3A_49 = arith.constant 0 : i32
      %dma_start3A_50 = tpu.memref_slice %arg2[%add3A_44, %dma_start3A_49] : memref<327680x128xf32, #tpu.memory_space<hbm>> -> memref<64x128xf32, #tpu.memory_space<hbm>>
      tpu.enqueue_dma source(%dma_start3A_50 : memref<64x128xf32, #tpu.memory_space<hbm>>) target(%arg10 : memref<64x128xf32, #tpu.memory_space<vmem>>) target_semaphore(%arg18 : memref<!tpu.dma_semaphore, #tpu.memory_space<semaphore_mem>>)
      %dma_start3A_51 = arith.constant 0 : i32
      %dma_start3A_52 = tpu.memref_slice %arg3[%add3A_44, %dma_start3A_51] : memref<327680x128xf32, #tpu.memory_space<hbm>> -> memref<64x16xf32, #tpu.memory_space<hbm>>
      %dma_start3A_53 = arith.constant 0 : i32
      %dma_start3A_54 = tpu.memref_slice %arg3[%add3A_44, %dma_start3A_53] : memref<327680x128xf32, #tpu.memory_space<hbm>> -> memref<64x16xf32, #tpu.memory_space<hbm>>
      tpu.enqueue_dma source(%dma_start3A_54 : memref<64x16xf32, #tpu.memory_space<hbm>>) target(%arg12 : memref<64x16xf32, #tpu.memory_space<vmem>>) target_semaphore(%arg18 : memref<!tpu.dma_semaphore, #tpu.memory_space<semaphore_mem>>)
      %dma_wait3A = tpu.memref_slice %arg4[%add3A_42] : memref<327680xi32, #tpu.memory_space<hbm>> -> memref<64xi32, #tpu.memory_space<hbm>>
      %dma_wait3A_55 = tpu.memref_slice %arg4[%add3A_42] : memref<327680xi32, #tpu.memory_space<hbm>> -> memref<64xi32, #tpu.memory_space<hbm>>
      tpu.wait_dma2 semaphore(%arg17 : memref<!tpu.dma_semaphore, #tpu.memory_space<semaphore_mem>>) src(%dma_wait3A_55 : memref<64xi32, #tpu.memory_space<hbm>>) dst(%arg7 : memref<64xi32, #tpu.memory_space<vmem>>)
      %dma_wait3A_56 = arith.constant 0 : i32
      %dma_wait3A_57 = tpu.memref_slice %arg2[%add3A_42, %dma_wait3A_56] : memref<327680x128xf32, #tpu.memory_space<hbm>> -> memref<64x128xf32, #tpu.memory_space<hbm>>
      %dma_wait3A_58 = arith.constant 0 : i32
      %dma_wait3A_59 = tpu.memref_slice %arg2[%add3A_42, %dma_wait3A_58] : memref<327680x128xf32, #tpu.memory_space<hbm>> -> memref<64x128xf32, #tpu.memory_space<hbm>>
      tpu.wait_dma2 semaphore(%arg17 : memref<!tpu.dma_semaphore, #tpu.memory_space<semaphore_mem>>) src(%dma_wait3A_59 : memref<64x128xf32, #tpu.memory_space<hbm>>) dst(%arg9 : memref<64x128xf32, #tpu.memory_space<vmem>>)
      %dma_wait3A_60 = arith.constant 0 : i32
      %dma_wait3A_61 = tpu.memref_slice %arg3[%add3A_42, %dma_wait3A_60] : memref<327680x128xf32, #tpu.memory_space<hbm>> -> memref<64x16xf32, #tpu.memory_space<hbm>>
      %dma_wait3A_62 = arith.constant 0 : i32
      %dma_wait3A_63 = tpu.memref_slice %arg3[%add3A_42, %dma_wait3A_62] : memref<327680x128xf32, #tpu.memory_space<hbm>> -> memref<64x16xf32, #tpu.memory_space<hbm>>
      tpu.wait_dma2 semaphore(%arg17 : memref<!tpu.dma_semaphore, #tpu.memory_space<semaphore_mem>>) src(%dma_wait3A_63 : memref<64x16xf32, #tpu.memory_space<hbm>>) dst(%arg11 : memref<64x16xf32, #tpu.memory_space<vmem>>)
      "tpu.region"() ({
        %run_scoped3A = tpu.sem_alloc : memref<!tpu.dma_semaphore, #tpu.memory_space<semaphore_mem>>
        %dma_start3A_80 = arith.constant 0 : i32
        %dma_start3A_81 = arith.constant 0 : i32
        %dma_start3A_82 = tpu.memref_slice %arg15[%dma_start3A_80, %dma_start3A_81] : memref<10240x128xf32, #tpu.memory_space<vmem_shared>> -> memref<10240x128xf32, #tpu.memory_space<vmem_shared>>
        tpu.enqueue_indirect_dma source(%arg9 : memref<64x128xf32, #tpu.memory_space<vmem>>) target(%dma_start3A_82 : memref<10240x128xf32, #tpu.memory_space<vmem_shared>>) offsets(%arg7 : memref<64xi32, #tpu.memory_space<vmem>>) semaphore(%run_scoped3A : memref<!tpu.dma_semaphore, #tpu.memory_space<semaphore_mem>>) {add = true}
        %dma_wait3A_83 = arith.constant 0 : i32
        %dma_wait3A_84 = arith.constant 0 : i32
        %dma_wait3A_85 = tpu.memref_slice %arg15[%dma_wait3A_83, %dma_wait3A_84] : memref<10240x128xf32, #tpu.memory_space<vmem_shared>> -> memref<10240x128xf32, #tpu.memory_space<vmem_shared>>
        tpu.wait_indirect_dma semaphore(%run_scoped3A : memref<!tpu.dma_semaphore, #tpu.memory_space<semaphore_mem>>) src(%arg9 : memref<64x128xf32, #tpu.memory_space<vmem>>) dst(%dma_wait3A_85 : memref<10240x128xf32, #tpu.memory_space<vmem_shared>>)
        tpu.yield
      }) : () -> ()
      "tpu.region"() ({
        %run_scoped3A = tpu.sem_alloc : memref<!tpu.dma_semaphore, #tpu.memory_space<semaphore_mem>>
        %dma_start3A_80 = arith.constant 0 : i32
        %dma_start3A_81 = arith.constant 0 : i32
        %dma_start3A_82 = tpu.memref_slice %arg16[%dma_start3A_80, %dma_start3A_81] : memref<10240x16xf32, #tpu.memory_space<vmem_shared>> -> memref<10240x16xf32, #tpu.memory_space<vmem_shared>>
        tpu.enqueue_indirect_dma source(%arg11 : memref<64x16xf32, #tpu.memory_space<vmem>>) target(%dma_start3A_82 : memref<10240x16xf32, #tpu.memory_space<vmem_shared>>) offsets(%arg7 : memref<64xi32, #tpu.memory_space<vmem>>) semaphore(%run_scoped3A : memref<!tpu.dma_semaphore, #tpu.memory_space<semaphore_mem>>) {add = true}
        %dma_wait3A_83 = arith.constant 0 : i32
        %dma_wait3A_84 = arith.constant 0 : i32
        %dma_wait3A_85 = tpu.memref_slice %arg16[%dma_wait3A_83, %dma_wait3A_84] : memref<10240x16xf32, #tpu.memory_space<vmem_shared>> -> memref<10240x16xf32, #tpu.memory_space<vmem_shared>>
        tpu.wait_indirect_dma semaphore(%run_scoped3A : memref<!tpu.dma_semaphore, #tpu.memory_space<semaphore_mem>>) src(%arg11 : memref<64x16xf32, #tpu.memory_space<vmem>>) dst(%dma_wait3A_85 : memref<10240x16xf32, #tpu.memory_space<vmem_shared>>)
        tpu.yield
      }) : () -> ()
      %add3A_64 = arith.constant 1 : i32
      %add3A_65 = arith.addi %scan3A_37, %add3A_64 : i32
      %lt3A = arith.constant 80 : i32
      %lt3A_66 = arith.cmpi slt, %add3A_65, %lt3A : i32
      %convert_element_type3A = arith.extui %lt3A_66 : i1 to i32
      %cond3A = arith.constant 0 : i32
      %cond3A_67 = arith.cmpi ne, %convert_element_type3A, %cond3A : i32
      scf.if %cond3A_67 {
        %add3A_80 = arith.constant 128 : i32
        %add3A_81 = arith.addi %add3A_42, %add3A_80 : i32
        %dma_start3A_82 = tpu.memref_slice %arg4[%add3A_81] : memref<327680xi32, #tpu.memory_space<hbm>> -> memref<64xi32, #tpu.memory_space<hbm>>
        %dma_start3A_83 = tpu.memref_slice %arg4[%add3A_81] : memref<327680xi32, #tpu.memory_space<hbm>> -> memref<64xi32, #tpu.memory_space<hbm>>
        tpu.enqueue_dma source(%dma_start3A_83 : memref<64xi32, #tpu.memory_space<hbm>>) target(%arg7 : memref<64xi32, #tpu.memory_space<vmem>>) target_semaphore(%arg17 : memref<!tpu.dma_semaphore, #tpu.memory_space<semaphore_mem>>)
        %dma_start3A_84 = arith.constant 0 : i32
        %dma_start3A_85 = tpu.memref_slice %arg2[%add3A_81, %dma_start3A_84] : memref<327680x128xf32, #tpu.memory_space<hbm>> -> memref<64x128xf32, #tpu.memory_space<hbm>>
        %dma_start3A_86 = arith.constant 0 : i32
        %dma_start3A_87 = tpu.memref_slice %arg2[%add3A_81, %dma_start3A_86] : memref<327680x128xf32, #tpu.memory_space<hbm>> -> memref<64x128xf32, #tpu.memory_space<hbm>>
        tpu.enqueue_dma source(%dma_start3A_87 : memref<64x128xf32, #tpu.memory_space<hbm>>) target(%arg9 : memref<64x128xf32, #tpu.memory_space<vmem>>) target_semaphore(%arg17 : memref<!tpu.dma_semaphore, #tpu.memory_space<semaphore_mem>>)
        %dma_start3A_88 = arith.constant 0 : i32
        %dma_start3A_89 = tpu.memref_slice %arg3[%add3A_81, %dma_start3A_88] : memref<327680x128xf32, #tpu.memory_space<hbm>> -> memref<64x16xf32, #tpu.memory_space<hbm>>
        %dma_start3A_90 = arith.constant 0 : i32
        %dma_start3A_91 = tpu.memref_slice %arg3[%add3A_81, %dma_start3A_90] : memref<327680x128xf32, #tpu.memory_space<hbm>> -> memref<64x16xf32, #tpu.memory_space<hbm>>
        tpu.enqueue_dma source(%dma_start3A_91 : memref<64x16xf32, #tpu.memory_space<hbm>>) target(%arg11 : memref<64x16xf32, #tpu.memory_space<vmem>>) target_semaphore(%arg17 : memref<!tpu.dma_semaphore, #tpu.memory_space<semaphore_mem>>)
      } else {
      }
      %add3A_68 = arith.constant 64 : i32
      %add3A_69 = arith.addi %add3A_42, %add3A_68 : i32
      %dma_wait3A_70 = tpu.memref_slice %arg4[%add3A_69] : memref<327680xi32, #tpu.memory_space<hbm>> -> memref<64xi32, #tpu.memory_space<hbm>>
      %dma_wait3A_71 = tpu.memref_slice %arg4[%add3A_69] : memref<327680xi32, #tpu.memory_space<hbm>> -> memref<64xi32, #tpu.memory_space<hbm>>
      tpu.wait_dma2 semaphore(%arg18 : memref<!tpu.dma_semaphore, #tpu.memory_space<semaphore_mem>>) src(%dma_wait3A_71 : memref<64xi32, #tpu.memory_space<hbm>>) dst(%arg8 : memref<64xi32, #tpu.memory_space<vmem>>)
      %dma_wait3A_72 = arith.constant 0 : i32
      %dma_wait3A_73 = tpu.memref_slice %arg2[%add3A_69, %dma_wait3A_72] : memref<327680x128xf32, #tpu.memory_space<hbm>> -> memref<64x128xf32, #tpu.memory_space<hbm>>
      %dma_wait3A_74 = arith.constant 0 : i32
      %dma_wait3A_75 = tpu.memref_slice %arg2[%add3A_69, %dma_wait3A_74] : memref<327680x128xf32, #tpu.memory_space<hbm>> -> memref<64x128xf32, #tpu.memory_space<hbm>>
      tpu.wait_dma2 semaphore(%arg18 : memref<!tpu.dma_semaphore, #tpu.memory_space<semaphore_mem>>) src(%dma_wait3A_75 : memref<64x128xf32, #tpu.memory_space<hbm>>) dst(%arg10 : memref<64x128xf32, #tpu.memory_space<vmem>>)
      %dma_wait3A_76 = arith.constant 0 : i32
      %dma_wait3A_77 = tpu.memref_slice %arg3[%add3A_69, %dma_wait3A_76] : memref<327680x128xf32, #tpu.memory_space<hbm>> -> memref<64x16xf32, #tpu.memory_space<hbm>>
      %dma_wait3A_78 = arith.constant 0 : i32
      %dma_wait3A_79 = tpu.memref_slice %arg3[%add3A_69, %dma_wait3A_78] : memref<327680x128xf32, #tpu.memory_space<hbm>> -> memref<64x16xf32, #tpu.memory_space<hbm>>
      tpu.wait_dma2 semaphore(%arg18 : memref<!tpu.dma_semaphore, #tpu.memory_space<semaphore_mem>>) src(%dma_wait3A_79 : memref<64x16xf32, #tpu.memory_space<hbm>>) dst(%arg12 : memref<64x16xf32, #tpu.memory_space<vmem>>)
      "tpu.region"() ({
        %run_scoped3A = tpu.sem_alloc : memref<!tpu.dma_semaphore, #tpu.memory_space<semaphore_mem>>
        %dma_start3A_80 = arith.constant 0 : i32
        %dma_start3A_81 = arith.constant 0 : i32
        %dma_start3A_82 = tpu.memref_slice %arg15[%dma_start3A_80, %dma_start3A_81] : memref<10240x128xf32, #tpu.memory_space<vmem_shared>> -> memref<10240x128xf32, #tpu.memory_space<vmem_shared>>
        tpu.enqueue_indirect_dma source(%arg10 : memref<64x128xf32, #tpu.memory_space<vmem>>) target(%dma_start3A_82 : memref<10240x128xf32, #tpu.memory_space<vmem_shared>>) offsets(%arg8 : memref<64xi32, #tpu.memory_space<vmem>>) semaphore(%run_scoped3A : memref<!tpu.dma_semaphore, #tpu.memory_space<semaphore_mem>>) {add = true}
        %dma_wait3A_83 = arith.constant 0 : i32
        %dma_wait3A_84 = arith.constant 0 : i32
        %dma_wait3A_85 = tpu.memref_slice %arg15[%dma_wait3A_83, %dma_wait3A_84] : memref<10240x128xf32, #tpu.memory_space<vmem_shared>> -> memref<10240x128xf32, #tpu.memory_space<vmem_shared>>
        tpu.wait_indirect_dma semaphore(%run_scoped3A : memref<!tpu.dma_semaphore, #tpu.memory_space<semaphore_mem>>) src(%arg10 : memref<64x128xf32, #tpu.memory_space<vmem>>) dst(%dma_wait3A_85 : memref<10240x128xf32, #tpu.memory_space<vmem_shared>>)
        tpu.yield
      }) : () -> ()
      "tpu.region"() ({
        %run_scoped3A = tpu.sem_alloc : memref<!tpu.dma_semaphore, #tpu.memory_space<semaphore_mem>>
        %dma_start3A_80 = arith.constant 0 : i32
        %dma_start3A_81 = arith.constant 0 : i32
        %dma_start3A_82 = tpu.memref_slice %arg16[%dma_start3A_80, %dma_start3A_81] : memref<10240x16xf32, #tpu.memory_space<vmem_shared>> -> memref<10240x16xf32, #tpu.memory_space<vmem_shared>>
        tpu.enqueue_indirect_dma source(%arg12 : memref<64x16xf32, #tpu.memory_space<vmem>>) target(%dma_start3A_82 : memref<10240x16xf32, #tpu.memory_space<vmem_shared>>) offsets(%arg8 : memref<64xi32, #tpu.memory_space<vmem>>) semaphore(%run_scoped3A : memref<!tpu.dma_semaphore, #tpu.memory_space<semaphore_mem>>) {add = true}
        %dma_wait3A_83 = arith.constant 0 : i32
        %dma_wait3A_84 = arith.constant 0 : i32
        %dma_wait3A_85 = tpu.memref_slice %arg16[%dma_wait3A_83, %dma_wait3A_84] : memref<10240x16xf32, #tpu.memory_space<vmem_shared>> -> memref<10240x16xf32, #tpu.memory_space<vmem_shared>>
        tpu.wait_indirect_dma semaphore(%run_scoped3A : memref<!tpu.dma_semaphore, #tpu.memory_space<semaphore_mem>>) src(%arg12 : memref<64x16xf32, #tpu.memory_space<vmem>>) dst(%dma_wait3A_85 : memref<10240x16xf32, #tpu.memory_space<vmem_shared>>)
        tpu.yield
      }) : () -> ()
    }
    %scan3A_29 = arith.constant 80 : i32
    %barrier3A_30 = arith.constant 0 : index
    tpu.barrier barrier_id(%barrier3A_30)
    %scan3A_31 = arith.constant 0 : i32
    %scan3A_32 = arith.constant 0 : i32
    %scan3A_33 = arith.constant 10 : i32
    %scan3A_34 = arith.addi %scan3A_32, %scan3A_33 : i32
    %scan3A_35 = arith.constant 1 : i32
    scf.for %scan3A_37 = %scan3A_32 to %scan3A_34 step %scan3A_35  : i32 {
      %mul3A_38 = arith.constant 640 : i32
      %mul3A_39 = arith.muli %arg1, %mul3A_38 : i32
      %mul3A_40 = arith.constant 64 : i32
      %mul3A_41 = arith.muli %scan3A_37, %mul3A_40 : i32
      %add3A_42 = arith.addi %mul3A_39, %mul3A_41 : i32
      "tpu.region"() ({
        %run_scoped3A = tpu.sem_alloc : memref<!tpu.dma_semaphore, #tpu.memory_space<semaphore_mem>>
        %dma_start3A_43 = arith.constant 0 : i32
        %dma_start3A_44 = tpu.memref_slice %arg15[%add3A_42, %dma_start3A_43] : memref<10240x128xf32, #tpu.memory_space<vmem_shared>> -> memref<64x128xf32, #tpu.memory_space<vmem_shared>>
        %dma_start3A_45 = arith.constant 0 : i32
        %dma_start3A_46 = tpu.memref_slice %arg15[%add3A_42, %dma_start3A_45] : memref<10240x128xf32, #tpu.memory_space<vmem_shared>> -> memref<64x128xf32, #tpu.memory_space<vmem_shared>>
        tpu.enqueue_dma source(%dma_start3A_46 : memref<64x128xf32, #tpu.memory_space<vmem_shared>>) target(%arg13 : memref<64x128xf32, #tpu.memory_space<vmem>>) target_semaphore(%run_scoped3A : memref<!tpu.dma_semaphore, #tpu.memory_space<semaphore_mem>>)
        %dma_wait3A = arith.constant 0 : i32
        %dma_wait3A_47 = tpu.memref_slice %arg15[%add3A_42, %dma_wait3A] : memref<10240x128xf32, #tpu.memory_space<vmem_shared>> -> memref<64x128xf32, #tpu.memory_space<vmem_shared>>
        %dma_wait3A_48 = arith.constant 0 : i32
        %dma_wait3A_49 = tpu.memref_slice %arg15[%add3A_42, %dma_wait3A_48] : memref<10240x128xf32, #tpu.memory_space<vmem_shared>> -> memref<64x128xf32, #tpu.memory_space<vmem_shared>>
        tpu.wait_dma2 semaphore(%run_scoped3A : memref<!tpu.dma_semaphore, #tpu.memory_space<semaphore_mem>>) src(%dma_wait3A_49 : memref<64x128xf32, #tpu.memory_space<vmem_shared>>) dst(%arg13 : memref<64x128xf32, #tpu.memory_space<vmem>>)
        tpu.yield
      }) : () -> ()
      "tpu.region"() ({
        %run_scoped3A = tpu.sem_alloc : memref<!tpu.dma_semaphore, #tpu.memory_space<semaphore_mem>>
        %dma_start3A_43 = arith.constant 0 : i32
        %dma_start3A_44 = tpu.memref_slice %arg5[%arg0, %add3A_42, %dma_start3A_43] : memref<2x10240x128xf32, #tpu.memory_space<hbm>> -> memref<1x64x128xf32, #tpu.memory_space<hbm>>
        %dma_start3A_45 = tpu.memref_squeeze %dma_start3A_44 : memref<1x64x128xf32, #tpu.memory_space<hbm>> -> memref<64x128xf32, #tpu.memory_space<hbm>>
        %dma_start3A_46 = arith.constant 0 : i32
        %dma_start3A_47 = tpu.memref_slice %arg5[%arg0, %add3A_42, %dma_start3A_46] : memref<2x10240x128xf32, #tpu.memory_space<hbm>> -> memref<1x64x128xf32, #tpu.memory_space<hbm>>
        %dma_start3A_48 = tpu.memref_squeeze %dma_start3A_47 : memref<1x64x128xf32, #tpu.memory_space<hbm>> -> memref<64x128xf32, #tpu.memory_space<hbm>>
        tpu.enqueue_dma source(%arg13 : memref<64x128xf32, #tpu.memory_space<vmem>>) target(%dma_start3A_48 : memref<64x128xf32, #tpu.memory_space<hbm>>) target_semaphore(%run_scoped3A : memref<!tpu.dma_semaphore, #tpu.memory_space<semaphore_mem>>)
        %dma_wait3A = arith.constant 0 : i32
        %dma_wait3A_49 = tpu.memref_slice %arg5[%arg0, %add3A_42, %dma_wait3A] : memref<2x10240x128xf32, #tpu.memory_space<hbm>> -> memref<1x64x128xf32, #tpu.memory_space<hbm>>
        %dma_wait3A_50 = tpu.memref_squeeze %dma_wait3A_49 : memref<1x64x128xf32, #tpu.memory_space<hbm>> -> memref<64x128xf32, #tpu.memory_space<hbm>>
        %dma_wait3A_51 = arith.constant 0 : i32
        %dma_wait3A_52 = tpu.memref_slice %arg5[%arg0, %add3A_42, %dma_wait3A_51] : memref<2x10240x128xf32, #tpu.memory_space<hbm>> -> memref<1x64x128xf32, #tpu.memory_space<hbm>>
        %dma_wait3A_53 = tpu.memref_squeeze %dma_wait3A_52 : memref<1x64x128xf32, #tpu.memory_space<hbm>> -> memref<64x128xf32, #tpu.memory_space<hbm>>
        tpu.wait_dma2 semaphore(%run_scoped3A : memref<!tpu.dma_semaphore, #tpu.memory_space<semaphore_mem>>) src(%arg13 : memref<64x128xf32, #tpu.memory_space<vmem>>) dst(%dma_wait3A_53 : memref<64x128xf32, #tpu.memory_space<hbm>>)
        tpu.yield
      }) : () -> ()
      "tpu.region"() ({
        %run_scoped3A = tpu.sem_alloc : memref<!tpu.dma_semaphore, #tpu.memory_space<semaphore_mem>>
        %dma_start3A_43 = arith.constant 0 : i32
        %dma_start3A_44 = tpu.memref_slice %arg16[%add3A_42, %dma_start3A_43] : memref<10240x16xf32, #tpu.memory_space<vmem_shared>> -> memref<64x16xf32, #tpu.memory_space<vmem_shared>>
        %dma_start3A_45 = arith.constant 0 : i32
        %dma_start3A_46 = tpu.memref_slice %arg16[%add3A_42, %dma_start3A_45] : memref<10240x16xf32, #tpu.memory_space<vmem_shared>> -> memref<64x16xf32, #tpu.memory_space<vmem_shared>>
        tpu.enqueue_dma source(%dma_start3A_46 : memref<64x16xf32, #tpu.memory_space<vmem_shared>>) target(%arg14 : memref<64x16xf32, #tpu.memory_space<vmem>>) target_semaphore(%run_scoped3A : memref<!tpu.dma_semaphore, #tpu.memory_space<semaphore_mem>>)
        %dma_wait3A = arith.constant 0 : i32
        %dma_wait3A_47 = tpu.memref_slice %arg16[%add3A_42, %dma_wait3A] : memref<10240x16xf32, #tpu.memory_space<vmem_shared>> -> memref<64x16xf32, #tpu.memory_space<vmem_shared>>
        %dma_wait3A_48 = arith.constant 0 : i32
        %dma_wait3A_49 = tpu.memref_slice %arg16[%add3A_42, %dma_wait3A_48] : memref<10240x16xf32, #tpu.memory_space<vmem_shared>> -> memref<64x16xf32, #tpu.memory_space<vmem_shared>>
        tpu.wait_dma2 semaphore(%run_scoped3A : memref<!tpu.dma_semaphore, #tpu.memory_space<semaphore_mem>>) src(%dma_wait3A_49 : memref<64x16xf32, #tpu.memory_space<vmem_shared>>) dst(%arg14 : memref<64x16xf32, #tpu.memory_space<vmem>>)
        tpu.yield
      }) : () -> ()
      "tpu.region"() ({
        %run_scoped3A = tpu.sem_alloc : memref<!tpu.dma_semaphore, #tpu.memory_space<semaphore_mem>>
        %dma_start3A_43 = arith.constant 0 : i32
        %dma_start3A_44 = tpu.memref_slice %arg6[%arg0, %add3A_42, %dma_start3A_43] : memref<2x10240x16xf32, #tpu.memory_space<hbm>> -> memref<1x64x16xf32, #tpu.memory_space<hbm>>
        %dma_start3A_45 = tpu.memref_squeeze %dma_start3A_44 : memref<1x64x16xf32, #tpu.memory_space<hbm>> -> memref<64x16xf32, #tpu.memory_space<hbm>>
        %dma_start3A_46 = arith.constant 0 : i32
        %dma_start3A_47 = tpu.memref_slice %arg6[%arg0, %add3A_42, %dma_start3A_46] : memref<2x10240x16xf32, #tpu.memory_space<hbm>> -> memref<1x64x16xf32, #tpu.memory_space<hbm>>
        %dma_start3A_48 = tpu.memref_squeeze %dma_start3A_47 : memref<1x64x16xf32, #tpu.memory_space<hbm>> -> memref<64x16xf32, #tpu.memory_space<hbm>>
        tpu.enqueue_dma source(%arg14 : memref<64x16xf32, #tpu.memory_space<vmem>>) target(%dma_start3A_48 : memref<64x16xf32, #tpu.memory_space<hbm>>) target_semaphore(%run_scoped3A : memref<!tpu.dma_semaphore, #tpu.memory_space<semaphore_mem>>)
        %dma_wait3A = arith.constant 0 : i32
        %dma_wait3A_49 = tpu.memref_slice %arg6[%arg0, %add3A_42, %dma_wait3A] : memref<2x10240x16xf32, #tpu.memory_space<hbm>> -> memref<1x64x16xf32, #tpu.memory_space<hbm>>
        %dma_wait3A_50 = tpu.memref_squeeze %dma_wait3A_49 : memref<1x64x16xf32, #tpu.memory_space<hbm>> -> memref<64x16xf32, #tpu.memory_space<hbm>>
        %dma_wait3A_51 = arith.constant 0 : i32
        %dma_wait3A_52 = tpu.memref_slice %arg6[%arg0, %add3A_42, %dma_wait3A_51] : memref<2x10240x16xf32, #tpu.memory_space<hbm>> -> memref<1x64x16xf32, #tpu.memory_space<hbm>>
        %dma_wait3A_53 = tpu.memref_squeeze %dma_wait3A_52 : memref<1x64x16xf32, #tpu.memory_space<hbm>> -> memref<64x16xf32, #tpu.memory_space<hbm>>
        tpu.wait_dma2 semaphore(%run_scoped3A : memref<!tpu.dma_semaphore, #tpu.memory_space<semaphore_mem>>) src(%arg14 : memref<64x16xf32, #tpu.memory_space<vmem>>) dst(%dma_wait3A_53 : memref<64x16xf32, #tpu.memory_space<hbm>>)
        tpu.yield
      }) : () -> ()
    }
    %scan3A_36 = arith.constant 10 : i32
    return
  }
}

module attributes {stable_mosaic.version = 14 : i64} {
  func.func @_k0_body(%arg0: i32, %arg1: memref<2000x128xf32, #tpu.memory_space<vmem>>, %arg2: memref<2000x16xf32, #tpu.memory_space<vmem>>, %arg3: memref<128x128xf32, #tpu.memory_space<vmem>>, %arg4: memref<128x128xf32, #tpu.memory_space<vmem>>, %arg5: memref<2000x80xi32, #tpu.memory_space<vmem>>, %arg6: memref<2000x80xi32, #tpu.memory_space<vmem>>) attributes {dimension_semantics = [#tpu.dimension_semantics<arbitrary>], iteration_bounds = array<i64: 5>, scalar_prefetch = 0 : i64, scratch_operands = 0 : i64, tpu.core_type = #tpu.core_type<tc>, window_params = [{transform_indices = @transform_0, window_bounds = array<i64: 2000, 128>}, {transform_indices = @transform_1, window_bounds = array<i64: 2000, 16>}, {pipeline_mode = #tpu.pipeline_mode<synchronous>, transform_indices = @transform_2, window_bounds = array<i64: 128, 128>}, {pipeline_mode = #tpu.pipeline_mode<synchronous>, transform_indices = @transform_3, window_bounds = array<i64: 128, 128>}, {transform_indices = @transform_4, window_bounds = array<i64: 2000, 80>}, {transform_indices = @transform_5, window_bounds = array<i64: 2000, 80>}]} {
    %get3A = arith.constant 0 : index
    %get3A_0 = arith.constant 0 : index
    %get3A_1 = vector.load %arg1[%get3A, %get3A_0] : memref<2000x128xf32, #tpu.memory_space<vmem>>, vector<2000x128xf32>
    %get3A_2 = arith.constant 0 : index
    %get3A_3 = arith.constant 0 : index
    %get3A_4 = vector.load %arg2[%get3A_2, %get3A_3] : memref<2000x16xf32, #tpu.memory_space<vmem>>, vector<2000x16xf32>
    %bitcast_convert_type3A = tpu.bitcast %get3A_4 : vector<2000x16xf32> -> vector<2000x16xi32>
    %get3A_5 = arith.constant 0 : index
    %get3A_6 = arith.constant 0 : index
    %get3A_7 = vector.load %arg3[%get3A_5, %get3A_6] : memref<128x128xf32, #tpu.memory_space<vmem>>, vector<128x128xf32>
    %dot_general3A = arith.constant dense<0.000000e+00> : vector<2000x128xf32>
    %dot_general3A_8 = tpu.matmul %get3A_1, %get3A_7, %dot_general3A {dimension_numbers = #tpu.dot_dimension_numbers<[1], [0], [0], [1], [0, 0, 1, 1], [], []>, transpose_lhs_hint = false} : vector<2000x128xf32>, vector<128x128xf32>, vector<2000x128xf32> -> vector<2000x128xf32>
    %get3A_9 = arith.constant 0 : index
    %get3A_10 = arith.constant 0 : index
    %get3A_11 = vector.load %arg4[%get3A_9, %get3A_10] : memref<128x128xf32, #tpu.memory_space<vmem>>, vector<128x128xf32>
    %dot_general3A_12 = arith.constant dense<0.000000e+00> : vector<2000x128xf32>
    %dot_general3A_13 = tpu.matmul %get3A_1, %get3A_11, %dot_general3A_12 {dimension_numbers = #tpu.dot_dimension_numbers<[1], [0], [0], [1], [0, 0, 1, 1], [], []>, transpose_lhs_hint = false} : vector<2000x128xf32>, vector<128x128xf32>, vector<2000x128xf32> -> vector<2000x128xf32>
    %slice3A = vector.extract_strided_slice %dot_general3A_8 {offsets = [0, 0], sizes = [2000, 64], strides = [1, 1]} : vector<2000x128xf32> to vector<2000x64xf32>
    %convert_element_type3A = arith.truncf %slice3A : vector<2000x64xf32> to vector<2000x64xbf16>
    %bitcast_convert_type3A_14 = tpu.bitcast %convert_element_type3A : vector<2000x64xbf16> -> vector<2000x64xi16>
    %convert_element_type3A_15 = arith.extui %bitcast_convert_type3A_14 : vector<2000x64xi16> to vector<2000x64xi32>
    %slice3A_16 = vector.extract_strided_slice %dot_general3A_8 {offsets = [0, 64], sizes = [2000, 64], strides = [1, 1]} : vector<2000x128xf32> to vector<2000x64xf32>
    %convert_element_type3A_17 = arith.truncf %slice3A_16 : vector<2000x64xf32> to vector<2000x64xbf16>
    %bitcast_convert_type3A_18 = tpu.bitcast %convert_element_type3A_17 : vector<2000x64xbf16> -> vector<2000x64xi16>
    %convert_element_type3A_19 = arith.extui %bitcast_convert_type3A_18 : vector<2000x64xi16> to vector<2000x64xi32>
    %shift_left3A = arith.constant 16 : i32
    %shift_left3A_20 = vector.broadcast %shift_left3A : i32 to vector<2000x64xi32>
    %shift_left3A_21 = arith.shli %convert_element_type3A_19, %shift_left3A_20 : vector<2000x64xi32>
    %or3A = arith.ori %convert_element_type3A_15, %shift_left3A_21 : vector<2000x64xi32>
    %bitcast_convert_type3A_22 = tpu.bitcast %or3A : vector<2000x64xi32> -> vector<2000x64xi32>
    %concatenate3A = tpu.concatenate %bitcast_convert_type3A_22, %bitcast_convert_type3A in 1 : vector<2000x64xi32>, vector<2000x16xi32> -> vector<2000x80xi32>
    %swap3A = arith.constant 0 : index
    %swap3A_23 = arith.constant 0 : index
    %swap3A_24 = vector.load %arg5[%swap3A, %swap3A_23] : memref<2000x80xi32, #tpu.memory_space<vmem>>, vector<2000x80xi32>
    tpu.vector_store %arg5[%swap3A, %swap3A_23], %concatenate3A {strides = array<i32>} : memref<2000x80xi32, #tpu.memory_space<vmem>>, vector<2000x80xi32>,
    %slice3A_25 = vector.extract_strided_slice %dot_general3A_13 {offsets = [0, 0], sizes = [2000, 64], strides = [1, 1]} : vector<2000x128xf32> to vector<2000x64xf32>
    %convert_element_type3A_26 = arith.truncf %slice3A_25 : vector<2000x64xf32> to vector<2000x64xbf16>
    %bitcast_convert_type3A_27 = tpu.bitcast %convert_element_type3A_26 : vector<2000x64xbf16> -> vector<2000x64xi16>
    %convert_element_type3A_28 = arith.extui %bitcast_convert_type3A_27 : vector<2000x64xi16> to vector<2000x64xi32>
    %slice3A_29 = vector.extract_strided_slice %dot_general3A_13 {offsets = [0, 64], sizes = [2000, 64], strides = [1, 1]} : vector<2000x128xf32> to vector<2000x64xf32>
    %convert_element_type3A_30 = arith.truncf %slice3A_29 : vector<2000x64xf32> to vector<2000x64xbf16>
    %bitcast_convert_type3A_31 = tpu.bitcast %convert_element_type3A_30 : vector<2000x64xbf16> -> vector<2000x64xi16>
    %convert_element_type3A_32 = arith.extui %bitcast_convert_type3A_31 : vector<2000x64xi16> to vector<2000x64xi32>
    %shift_left3A_33 = arith.constant 16 : i32
    %shift_left3A_34 = vector.broadcast %shift_left3A_33 : i32 to vector<2000x64xi32>
    %shift_left3A_35 = arith.shli %convert_element_type3A_32, %shift_left3A_34 : vector<2000x64xi32>
    %or3A_36 = arith.ori %convert_element_type3A_28, %shift_left3A_35 : vector<2000x64xi32>
    %bitcast_convert_type3A_37 = tpu.bitcast %or3A_36 : vector<2000x64xi32> -> vector<2000x64xi32>
    %concatenate3A_38 = tpu.concatenate %bitcast_convert_type3A_37, %bitcast_convert_type3A in 1 : vector<2000x64xi32>, vector<2000x16xi32> -> vector<2000x80xi32>
    %swap3A_39 = arith.constant 0 : index
    %swap3A_40 = arith.constant 0 : index
    %swap3A_41 = vector.load %arg6[%swap3A_39, %swap3A_40] : memref<2000x80xi32, #tpu.memory_space<vmem>>, vector<2000x80xi32>
    tpu.vector_store %arg6[%swap3A_39, %swap3A_40], %concatenate3A_38 {strides = array<i32>} : memref<2000x80xi32, #tpu.memory_space<vmem>>, vector<2000x80xi32>,
    return
  }
  func.func @transform_0(%arg0: i32) -> (i32, i32) {
    %c0_i32 = arith.constant 0 : i32
    %c0_i32_0 = arith.constant 0 : i32
    return %arg0, %c0_i32 : i32, i32
  }
  func.func @transform_1(%arg0: i32) -> (i32, i32) {
    %c0_i32 = arith.constant 0 : i32
    %c0_i32_0 = arith.constant 0 : i32
    return %arg0, %c0_i32 : i32, i32
  }
  func.func @transform_2(%arg0: i32) -> (i32, i32) {
    %c0_i32 = arith.constant 0 : i32
    %c0_i32_0 = arith.constant 0 : i32
    %c0_i32_1 = arith.constant 0 : i32
    return %c0_i32, %c0_i32_0 : i32, i32
  }
  func.func @transform_3(%arg0: i32) -> (i32, i32) {
    %c0_i32 = arith.constant 0 : i32
    %c0_i32_0 = arith.constant 0 : i32
    %c0_i32_1 = arith.constant 0 : i32
    return %c0_i32, %c0_i32_0 : i32, i32
  }
  func.func @transform_4(%arg0: i32) -> (i32, i32) {
    %c0_i32 = arith.constant 0 : i32
    %c0_i32_0 = arith.constant 0 : i32
    return %arg0, %c0_i32 : i32, i32
  }
  func.func @transform_5(%arg0: i32) -> (i32, i32) {
    %c0_i32 = arith.constant 0 : i32
    %c0_i32_0 = arith.constant 0 : i32
    return %arg0, %c0_i32 : i32, i32
  }
}

module attributes {stable_mosaic.version = 14 : i64} {
  func.func @_k2_body(%arg0: i32, %arg1: memref<2048x128xi32, #tpu.memory_space<vmem>>, %arg2: memref<1x128xf32, #tpu.memory_space<vmem>>, %arg3: memref<1x128xf32, #tpu.memory_space<vmem>>, %arg4: memref<1x128xf32, #tpu.memory_space<vmem>>, %arg5: memref<128x128xf32, #tpu.memory_space<vmem>>, %arg6: memref<1x128xf32, #tpu.memory_space<vmem>>, %arg7: memref<128x128xf32, #tpu.memory_space<vmem>>, %arg8: memref<1x128xf32, #tpu.memory_space<vmem>>, %arg9: memref<1x128xf32, #tpu.memory_space<vmem>>, %arg10: memref<2048x128xf32, #tpu.memory_space<vmem>>, %arg11: memref<2048x128xf32, #tpu.memory_space<vmem>>) attributes {dimension_semantics = [#tpu.dimension_semantics<arbitrary>], iteration_bounds = array<i64: 160>, scalar_prefetch = 0 : i64, scratch_operands = 0 : i64, tpu.core_type = #tpu.core_type<tc>, window_params = [{transform_indices = @transform_0, window_bounds = array<i64: 2048, 128>}, {pipeline_mode = #tpu.pipeline_mode<synchronous>, transform_indices = @transform_1, window_bounds = array<i64: 1, 128>}, {pipeline_mode = #tpu.pipeline_mode<synchronous>, transform_indices = @transform_2, window_bounds = array<i64: 1, 128>}, {pipeline_mode = #tpu.pipeline_mode<synchronous>, transform_indices = @transform_3, window_bounds = array<i64: 1, 128>}, {pipeline_mode = #tpu.pipeline_mode<synchronous>, transform_indices = @transform_4, window_bounds = array<i64: 128, 128>}, {pipeline_mode = #tpu.pipeline_mode<synchronous>, transform_indices = @transform_5, window_bounds = array<i64: 1, 128>}, {pipeline_mode = #tpu.pipeline_mode<synchronous>, transform_indices = @transform_6, window_bounds = array<i64: 128, 128>}, {pipeline_mode = #tpu.pipeline_mode<synchronous>, transform_indices = @transform_7, window_bounds = array<i64: 1, 128>}, {pipeline_mode = #tpu.pipeline_mode<synchronous>, transform_indices = @transform_8, window_bounds = array<i64: 1, 128>}, {transform_indices = @transform_9, window_bounds = array<i64: 2048, 128>}, {transform_indices = @transform_10, window_bounds = array<i64: 2048, 128>}]} {
    %get3A = arith.constant 0 : index
    %get3A_0 = arith.constant 0 : index
    %get3A_1 = vector.load %arg1[%get3A, %get3A_0] : memref<2048x128xi32, #tpu.memory_space<vmem>>, vector<2048x128xi32>
    %slice3A = vector.extract_strided_slice %get3A_1 {offsets = [0, 0], sizes = [2048, 64], strides = [1, 1]} : vector<2048x128xi32> to vector<2048x64xi32>
    %shift_left3A = arith.constant 16 : i32
    %shift_left3A_2 = vector.broadcast %shift_left3A : i32 to vector<2048x64xi32>
    %shift_left3A_3 = arith.shli %slice3A, %shift_left3A_2 : vector<2048x64xi32>
    %bitcast_convert_type3A = tpu.bitcast %shift_left3A_3 : vector<2048x64xi32> -> vector<2048x64xf32>
    %and3A = arith.constant -65536 : i32
    %and3A_4 = vector.broadcast %and3A : i32 to vector<2048x64xi32>
    %and3A_5 = arith.andi %slice3A, %and3A_4 : vector<2048x64xi32>
    %bitcast_convert_type3A_6 = tpu.bitcast %and3A_5 : vector<2048x64xi32> -> vector<2048x64xf32>
    %concatenate3A = tpu.concatenate %bitcast_convert_type3A, %bitcast_convert_type3A_6 in 1 : vector<2048x64xf32>, vector<2048x64xf32> -> vector<2048x128xf32>
    %slice3A_7 = vector.extract_strided_slice %get3A_1 {offsets = [0, 64], sizes = [2048, 3], strides = [1, 1]} : vector<2048x128xi32> to vector<2048x3xi32>
    %bitcast_convert_type3A_8 = tpu.bitcast %slice3A_7 : vector<2048x3xi32> -> vector<2048x3xf32>
    %mul3A = arith.mulf %bitcast_convert_type3A_8, %bitcast_convert_type3A_8 : vector<2048x3xf32>
    %reduce_sum3A = arith.constant dense<0.000000e+00> : vector<2048xf32>
    %reduce_sum3A_9 = vector.multi_reduction <add>, %mul3A, %reduce_sum3A [1] : vector<2048x3xf32> to vector<2048xf32>
    %broadcast_in_dim3A = vector.shape_cast %reduce_sum3A_9 : vector<2048xf32> to vector<2048x1xf32>
    %sqrt3A = math.sqrt %broadcast_in_dim3A : vector<2048x1xf32>
    %add3A = arith.constant 9.99999993E-9 : f32
    %add3A_10 = vector.broadcast %add3A : f32 to vector<2048x1xf32>
    %add3A_11 = arith.addf %sqrt3A, %add3A_10 : vector<2048x1xf32>
    %add3A_12 = arith.constant 9.99999993E-9 : f32
    %add3A_13 = vector.broadcast %add3A_12 : f32 to vector<2048x1xf32>
    %add3A_14 = arith.addf %sqrt3A, %add3A_13 : vector<2048x1xf32>
    %mul3A_15 = arith.mulf %add3A_11, %add3A_14 : vector<2048x1xf32>
    %div3A = arith.divf %broadcast_in_dim3A, %mul3A_15 : vector<2048x1xf32>
    %get3A_16 = arith.constant 0 : index
    %get3A_17 = arith.constant 0 : index
    %get3A_18 = vector.load %arg2[%get3A_16, %get3A_17] : memref<1x128xf32, #tpu.memory_space<vmem>>, vector<1x128xf32>
    %mul3A_19 = vector.broadcast %sqrt3A : vector<2048x1xf32> to vector<2048x128xf32>
    %mul3A_20 = vector.broadcast %get3A_18 : vector<1x128xf32> to vector<2048x128xf32>
    %mul3A_21 = arith.mulf %mul3A_19, %mul3A_20 : vector<2048x128xf32>
    %add3A_22 = arith.addf %concatenate3A, %mul3A_21 : vector<2048x128xf32>
    %get3A_23 = arith.constant 0 : index
    %get3A_24 = arith.constant 0 : index
    %get3A_25 = vector.load %arg3[%get3A_23, %get3A_24] : memref<1x128xf32, #tpu.memory_space<vmem>>, vector<1x128xf32>
    %mul3A_26 = vector.broadcast %div3A : vector<2048x1xf32> to vector<2048x128xf32>
    %mul3A_27 = vector.broadcast %get3A_25 : vector<1x128xf32> to vector<2048x128xf32>
    %mul3A_28 = arith.mulf %mul3A_26, %mul3A_27 : vector<2048x128xf32>
    %add3A_29 = arith.addf %add3A_22, %mul3A_28 : vector<2048x128xf32>
    %get3A_30 = arith.constant 0 : index
    %get3A_31 = arith.constant 0 : index
    %get3A_32 = vector.load %arg4[%get3A_30, %get3A_31] : memref<1x128xf32, #tpu.memory_space<vmem>>, vector<1x128xf32>
    %add3A_33 = vector.broadcast %get3A_32 : vector<1x128xf32> to vector<2048x128xf32>
    %add3A_34 = arith.addf %add3A_29, %add3A_33 : vector<2048x128xf32>
    %max3A = arith.constant 0.000000e+00 : f32
    %max3A_35 = vector.broadcast %max3A : f32 to vector<2048x128xf32>
    %max3A_36 = arith.maximumf %add3A_34, %max3A_35 : vector<2048x128xf32>
    %get3A_37 = arith.constant 0 : index
    %get3A_38 = arith.constant 0 : index
    %get3A_39 = vector.load %arg5[%get3A_37, %get3A_38] : memref<128x128xf32, #tpu.memory_space<vmem>>, vector<128x128xf32>
    %dot_general3A = arith.constant dense<0.000000e+00> : vector<2048x128xf32>
    %dot_general3A_40 = tpu.matmul %max3A_36, %get3A_39, %dot_general3A {dimension_numbers = #tpu.dot_dimension_numbers<[1], [0], [0], [1], [0, 0, 1, 1], [], []>, transpose_lhs_hint = false} : vector<2048x128xf32>, vector<128x128xf32>, vector<2048x128xf32> -> vector<2048x128xf32>
    %get3A_41 = arith.constant 0 : index
    %get3A_42 = arith.constant 0 : index
    %get3A_43 = vector.load %arg6[%get3A_41, %get3A_42] : memref<1x128xf32, #tpu.memory_space<vmem>>, vector<1x128xf32>
    %add3A_44 = vector.broadcast %get3A_43 : vector<1x128xf32> to vector<2048x128xf32>
    %add3A_45 = arith.addf %dot_general3A_40, %add3A_44 : vector<2048x128xf32>
    %max3A_46 = arith.constant 0.000000e+00 : f32
    %max3A_47 = vector.broadcast %max3A_46 : f32 to vector<2048x128xf32>
    %max3A_48 = arith.maximumf %add3A_45, %max3A_47 : vector<2048x128xf32>
    %get3A_49 = arith.constant 0 : index
    %get3A_50 = arith.constant 0 : index
    %get3A_51 = vector.load %arg7[%get3A_49, %get3A_50] : memref<128x128xf32, #tpu.memory_space<vmem>>, vector<128x128xf32>
    %dot_general3A_52 = arith.constant dense<0.000000e+00> : vector<2048x128xf32>
    %dot_general3A_53 = tpu.matmul %max3A_48, %get3A_51, %dot_general3A_52 {dimension_numbers = #tpu.dot_dimension_numbers<[1], [0], [0], [1], [0, 0, 1, 1], [], []>, transpose_lhs_hint = false} : vector<2048x128xf32>, vector<128x128xf32>, vector<2048x128xf32> -> vector<2048x128xf32>
    %get3A_54 = arith.constant 0 : index
    %get3A_55 = arith.constant 0 : index
    %get3A_56 = vector.load %arg8[%get3A_54, %get3A_55] : memref<1x128xf32, #tpu.memory_space<vmem>>, vector<1x128xf32>
    %add3A_57 = vector.broadcast %get3A_56 : vector<1x128xf32> to vector<2048x128xf32>
    %add3A_58 = arith.addf %dot_general3A_53, %add3A_57 : vector<2048x128xf32>
    %max3A_59 = arith.constant 0.000000e+00 : f32
    %max3A_60 = vector.broadcast %max3A_59 : f32 to vector<2048x128xf32>
    %max3A_61 = arith.maximumf %add3A_58, %max3A_60 : vector<2048x128xf32>
    %get3A_62 = arith.constant 0 : index
    %get3A_63 = arith.constant 0 : index
    %get3A_64 = vector.load %arg9[%get3A_62, %get3A_63] : memref<1x128xf32, #tpu.memory_space<vmem>>, vector<1x128xf32>
    %mul3A_65 = vector.broadcast %get3A_64 : vector<1x128xf32> to vector<2048x128xf32>
    %mul3A_66 = arith.mulf %max3A_61, %mul3A_65 : vector<2048x128xf32>
    %reduce_sum3A_67 = arith.constant dense<0.000000e+00> : vector<2048xf32>
    %reduce_sum3A_68 = vector.multi_reduction <add>, %mul3A_66, %reduce_sum3A_67 [1] : vector<2048x128xf32> to vector<2048xf32>
    %broadcast_in_dim3A_69 = vector.shape_cast %reduce_sum3A_68 : vector<2048xf32> to vector<2048x1xf32>
    %mul3A_70 = vector.broadcast %broadcast_in_dim3A_69 : vector<2048x1xf32> to vector<2048x3xf32>
    %mul3A_71 = arith.mulf %bitcast_convert_type3A_8, %mul3A_70 : vector<2048x3xf32>
    %jit3A = arith.constant -1.000000e+02 : f32
    %jit3A_72 = arith.constant 1.000000e+02 : f32
    %max3A_73 = vector.broadcast %jit3A : f32 to vector<2048x3xf32>
    %max3A_74 = arith.maximumf %max3A_73, %mul3A_71 : vector<2048x3xf32>
    %min3A = vector.broadcast %jit3A_72 : f32 to vector<2048x3xf32>
    %min3A_75 = arith.minimumf %min3A, %max3A_74 : vector<2048x3xf32>
    %swap3A = arith.constant 0 : index
    %swap3A_76 = arith.constant 0 : index
    %swap3A_77 = vector.load %arg10[%swap3A, %swap3A_76] : memref<2048x128xf32, #tpu.memory_space<vmem>>, vector<2048x128xf32>
    tpu.vector_store %arg10[%swap3A, %swap3A_76], %max3A_48 {strides = array<i32>} : memref<2048x128xf32, #tpu.memory_space<vmem>>, vector<2048x128xf32>,
    %broadcast_in_dim3A_78 = arith.constant 1.000000e+00 : f32
    %broadcast_in_dim3A_79 = vector.broadcast %broadcast_in_dim3A_78 : f32 to vector<2048x1xf32>
    %broadcast_in_dim3A_80 = arith.constant 0.000000e+00 : f32
    %broadcast_in_dim3A_81 = vector.broadcast %broadcast_in_dim3A_80 : f32 to vector<2048x124xf32>
    %concatenate3A_82 = tpu.concatenate %min3A_75, %broadcast_in_dim3A_79, %broadcast_in_dim3A_81 in 1 : vector<2048x3xf32>, vector<2048x1xf32>, vector<2048x124xf32> -> vector<2048x128xf32>
    %swap3A_83 = arith.constant 0 : index
    %swap3A_84 = arith.constant 0 : index
    %swap3A_85 = vector.load %arg11[%swap3A_83, %swap3A_84] : memref<2048x128xf32, #tpu.memory_space<vmem>>, vector<2048x128xf32>
    tpu.vector_store %arg11[%swap3A_83, %swap3A_84], %concatenate3A_82 {strides = array<i32>} : memref<2048x128xf32, #tpu.memory_space<vmem>>, vector<2048x128xf32>,
    return
  }
  func.func @transform_0(%arg0: i32) -> (i32, i32) {
    %c0_i32 = arith.constant 0 : i32
    %c0_i32_0 = arith.constant 0 : i32
    return %arg0, %c0_i32 : i32, i32
  }
  func.func @transform_1(%arg0: i32) -> (i32, i32) {
    %c0_i32 = arith.constant 0 : i32
    %c0_i32_0 = arith.constant 0 : i32
    %c0_i32_1 = arith.constant 0 : i32
    return %c0_i32, %c0_i32_0 : i32, i32
  }
  func.func @transform_2(%arg0: i32) -> (i32, i32) {
    %c0_i32 = arith.constant 0 : i32
    %c0_i32_0 = arith.constant 0 : i32
    %c0_i32_1 = arith.constant 0 : i32
    return %c0_i32, %c0_i32_0 : i32, i32
  }
  func.func @transform_3(%arg0: i32) -> (i32, i32) {
    %c0_i32 = arith.constant 0 : i32
    %c0_i32_0 = arith.constant 0 : i32
    %c0_i32_1 = arith.constant 0 : i32
    return %c0_i32, %c0_i32_0 : i32, i32
  }
  func.func @transform_4(%arg0: i32) -> (i32, i32) {
    %c0_i32 = arith.constant 0 : i32
    %c0_i32_0 = arith.constant 0 : i32
    %c0_i32_1 = arith.constant 0 : i32
    return %c0_i32, %c0_i32_0 : i32, i32
  }
  func.func @transform_5(%arg0: i32) -> (i32, i32) {
    %c0_i32 = arith.constant 0 : i32
    %c0_i32_0 = arith.constant 0 : i32
    %c0_i32_1 = arith.constant 0 : i32
    return %c0_i32, %c0_i32_0 : i32, i32
  }
  func.func @transform_6(%arg0: i32) -> (i32, i32) {
    %c0_i32 = arith.constant 0 : i32
    %c0_i32_0 = arith.constant 0 : i32
    %c0_i32_1 = arith.constant 0 : i32
    return %c0_i32, %c0_i32_0 : i32, i32
  }
  func.func @transform_7(%arg0: i32) -> (i32, i32) {
    %c0_i32 = arith.constant 0 : i32
    %c0_i32_0 = arith.constant 0 : i32
    %c0_i32_1 = arith.constant 0 : i32
    return %c0_i32, %c0_i32_0 : i32, i32
  }
  func.func @transform_8(%arg0: i32) -> (i32, i32) {
    %c0_i32 = arith.constant 0 : i32
    %c0_i32_0 = arith.constant 0 : i32
    %c0_i32_1 = arith.constant 0 : i32
    return %c0_i32, %c0_i32_0 : i32, i32
  }
  func.func @transform_9(%arg0: i32) -> (i32, i32) {
    %c0_i32 = arith.constant 0 : i32
    %c0_i32_0 = arith.constant 0 : i32
    return %arg0, %c0_i32 : i32, i32
  }
  func.func @transform_10(%arg0: i32) -> (i32, i32) {
    %c0_i32 = arith.constant 0 : i32
    %c0_i32_0 = arith.constant 0 : i32
    return %arg0, %c0_i32 : i32, i32
  }
}

module attributes {stable_mosaic.version = 14 : i64} {
  func.func @_k4_body(%arg0: i32, %arg1: memref<2000x128xf32, #tpu.memory_space<vmem>>, %arg2: memref<2000x128xf32, #tpu.memory_space<vmem>>, %arg3: memref<2000x128xf32, #tpu.memory_space<vmem>>, %arg4: memref<2000x16xf32, #tpu.memory_space<vmem>>, %arg5: memref<2000x16xf32, #tpu.memory_space<vmem>>, %arg6: memref<128x128xf32, #tpu.memory_space<vmem>>, %arg7: memref<128x128xf32, #tpu.memory_space<vmem>>, %arg8: memref<1x128xf32, #tpu.memory_space<vmem>>, %arg9: memref<128x128xf32, #tpu.memory_space<vmem>>, %arg10: memref<1x128xf32, #tpu.memory_space<vmem>>, %arg11: memref<2000x128xf32, #tpu.memory_space<vmem>>, %arg12: memref<2000x16xf32, #tpu.memory_space<vmem>>) attributes {dimension_semantics = [#tpu.dimension_semantics<arbitrary>], iteration_bounds = array<i64: 5>, scalar_prefetch = 0 : i64, scratch_operands = 0 : i64, tpu.core_type = #tpu.core_type<tc>, window_params = [{transform_indices = @transform_0, window_bounds = array<i64: 2000, 128>}, {transform_indices = @transform_1, window_bounds = array<i64: 2000, 128>}, {transform_indices = @transform_2, window_bounds = array<i64: 2000, 128>}, {transform_indices = @transform_3, window_bounds = array<i64: 2000, 16>}, {transform_indices = @transform_4, window_bounds = array<i64: 2000, 16>}, {pipeline_mode = #tpu.pipeline_mode<synchronous>, transform_indices = @transform_5, window_bounds = array<i64: 128, 128>}, {pipeline_mode = #tpu.pipeline_mode<synchronous>, transform_indices = @transform_6, window_bounds = array<i64: 128, 128>}, {pipeline_mode = #tpu.pipeline_mode<synchronous>, transform_indices = @transform_7, window_bounds = array<i64: 1, 128>}, {pipeline_mode = #tpu.pipeline_mode<synchronous>, transform_indices = @transform_8, window_bounds = array<i64: 128, 128>}, {pipeline_mode = #tpu.pipeline_mode<synchronous>, transform_indices = @transform_9, window_bounds = array<i64: 1, 128>}, {transform_indices = @transform_10, window_bounds = array<i64: 2000, 128>}, {transform_indices = @transform_11, window_bounds = array<i64: 2000, 16>}]} {
    %get3A = arith.constant 0 : index
    %get3A_0 = arith.constant 0 : index
    %get3A_1 = vector.load %arg2[%get3A, %get3A_0] : memref<2000x128xf32, #tpu.memory_space<vmem>>, vector<2000x128xf32>
    %get3A_2 = arith.constant 0 : index
    %get3A_3 = arith.constant 0 : index
    %get3A_4 = vector.load %arg3[%get3A_2, %get3A_3] : memref<2000x128xf32, #tpu.memory_space<vmem>>, vector<2000x128xf32>
    %add3A = arith.addf %get3A_1, %get3A_4 : vector<2000x128xf32>
    %get3A_5 = arith.constant 0 : index
    %get3A_6 = arith.constant 0 : index
    %get3A_7 = vector.load %arg1[%get3A_5, %get3A_6] : memref<2000x128xf32, #tpu.memory_space<vmem>>, vector<2000x128xf32>
    %get3A_8 = arith.constant 0 : index
    %get3A_9 = arith.constant 0 : index
    %get3A_10 = vector.load %arg6[%get3A_8, %get3A_9] : memref<128x128xf32, #tpu.memory_space<vmem>>, vector<128x128xf32>
    %dot_general3A = arith.constant dense<0.000000e+00> : vector<2000x128xf32>
    %dot_general3A_11 = tpu.matmul %get3A_7, %get3A_10, %dot_general3A {dimension_numbers = #tpu.dot_dimension_numbers<[1], [0], [0], [1], [0, 0, 1, 1], [], []>, transpose_lhs_hint = false} : vector<2000x128xf32>, vector<128x128xf32>, vector<2000x128xf32> -> vector<2000x128xf32>
    %get3A_12 = arith.constant 0 : index
    %get3A_13 = arith.constant 0 : index
    %get3A_14 = vector.load %arg7[%get3A_12, %get3A_13] : memref<128x128xf32, #tpu.memory_space<vmem>>, vector<128x128xf32>
    %dot_general3A_15 = arith.constant dense<0.000000e+00> : vector<2000x128xf32>
    %dot_general3A_16 = tpu.matmul %add3A, %get3A_14, %dot_general3A_15 {dimension_numbers = #tpu.dot_dimension_numbers<[1], [0], [0], [1], [0, 0, 1, 1], [], []>, transpose_lhs_hint = false} : vector<2000x128xf32>, vector<128x128xf32>, vector<2000x128xf32> -> vector<2000x128xf32>
    %add3A_17 = arith.addf %dot_general3A_11, %dot_general3A_16 : vector<2000x128xf32>
    %get3A_18 = arith.constant 0 : index
    %get3A_19 = arith.constant 0 : index
    %get3A_20 = vector.load %arg8[%get3A_18, %get3A_19] : memref<1x128xf32, #tpu.memory_space<vmem>>, vector<1x128xf32>
    %add3A_21 = vector.broadcast %get3A_20 : vector<1x128xf32> to vector<2000x128xf32>
    %add3A_22 = arith.addf %add3A_17, %add3A_21 : vector<2000x128xf32>
    %max3A = arith.constant 0.000000e+00 : f32
    %max3A_23 = vector.broadcast %max3A : f32 to vector<2000x128xf32>
    %max3A_24 = arith.maximumf %add3A_22, %max3A_23 : vector<2000x128xf32>
    %get3A_25 = arith.constant 0 : index
    %get3A_26 = arith.constant 0 : index
    %get3A_27 = vector.load %arg9[%get3A_25, %get3A_26] : memref<128x128xf32, #tpu.memory_space<vmem>>, vector<128x128xf32>
    %dot_general3A_28 = arith.constant dense<0.000000e+00> : vector<2000x128xf32>
    %dot_general3A_29 = tpu.matmul %max3A_24, %get3A_27, %dot_general3A_28 {dimension_numbers = #tpu.dot_dimension_numbers<[1], [0], [0], [1], [0, 0, 1, 1], [], []>, transpose_lhs_hint = false} : vector<2000x128xf32>, vector<128x128xf32>, vector<2000x128xf32> -> vector<2000x128xf32>
    %get3A_30 = arith.constant 0 : index
    %get3A_31 = arith.constant 0 : index
    %get3A_32 = vector.load %arg10[%get3A_30, %get3A_31] : memref<1x128xf32, #tpu.memory_space<vmem>>, vector<1x128xf32>
    %add3A_33 = vector.broadcast %get3A_32 : vector<1x128xf32> to vector<2000x128xf32>
    %add3A_34 = arith.addf %dot_general3A_29, %add3A_33 : vector<2000x128xf32>
    %swap3A = arith.constant 0 : index
    %swap3A_35 = arith.constant 0 : index
    %swap3A_36 = vector.load %arg11[%swap3A, %swap3A_35] : memref<2000x128xf32, #tpu.memory_space<vmem>>, vector<2000x128xf32>
    tpu.vector_store %arg11[%swap3A, %swap3A_35], %add3A_34 {strides = array<i32>} : memref<2000x128xf32, #tpu.memory_space<vmem>>, vector<2000x128xf32>,
    %get3A_37 = arith.constant 0 : index
    %get3A_38 = arith.constant 0 : index
    %get3A_39 = vector.load %arg4[%get3A_37, %get3A_38] : memref<2000x16xf32, #tpu.memory_space<vmem>>, vector<2000x16xf32>
    %get3A_40 = arith.constant 0 : index
    %get3A_41 = arith.constant 0 : index
    %get3A_42 = vector.load %arg5[%get3A_40, %get3A_41] : memref<2000x16xf32, #tpu.memory_space<vmem>>, vector<2000x16xf32>
    %add3A_43 = arith.addf %get3A_39, %get3A_42 : vector<2000x16xf32>
    %slice3A = vector.extract_strided_slice %add3A_43 {offsets = [0, 0], sizes = [2000, 3], strides = [1, 1]} : vector<2000x16xf32> to vector<2000x3xf32>
    %slice3A_44 = vector.extract_strided_slice %add3A_43 {offsets = [0, 3], sizes = [2000, 1], strides = [1, 1]} : vector<2000x16xf32> to vector<2000x1xf32>
    %max3A_45 = arith.constant 1.000000e+00 : f32
    %max3A_46 = vector.broadcast %max3A_45 : f32 to vector<2000x1xf32>
    %max3A_47 = arith.maximumf %slice3A_44, %max3A_46 : vector<2000x1xf32>
    %div3A = vector.broadcast %max3A_47 : vector<2000x1xf32> to vector<2000x3xf32>
    %div3A_48 = arith.divf %slice3A, %div3A : vector<2000x3xf32>
    %mul3A = arith.constant 1.000000e+00 : f32
    %mul3A_49 = vector.broadcast %mul3A : f32 to vector<2000x3xf32>
    %mul3A_50 = arith.mulf %div3A_48, %mul3A_49 : vector<2000x3xf32>
    %broadcast_in_dim3A = arith.constant 0.000000e+00 : f32
    %broadcast_in_dim3A_51 = vector.broadcast %broadcast_in_dim3A : f32 to vector<2000x13xf32>
    %concatenate3A = tpu.concatenate %mul3A_50, %broadcast_in_dim3A_51 in 1 : vector<2000x3xf32>, vector<2000x13xf32> -> vector<2000x16xf32>
    %swap3A_52 = arith.constant 0 : index
    %swap3A_53 = arith.constant 0 : index
    %swap3A_54 = vector.load %arg12[%swap3A_52, %swap3A_53] : memref<2000x16xf32, #tpu.memory_space<vmem>>, vector<2000x16xf32>
    tpu.vector_store %arg12[%swap3A_52, %swap3A_53], %concatenate3A {strides = array<i32>} : memref<2000x16xf32, #tpu.memory_space<vmem>>, vector<2000x16xf32>,
    return
  }
  func.func @transform_0(%arg0: i32) -> (i32, i32) {
    %c0_i32 = arith.constant 0 : i32
    %c0_i32_0 = arith.constant 0 : i32
    return %arg0, %c0_i32 : i32, i32
  }
  func.func @transform_1(%arg0: i32) -> (i32, i32) {
    %c0_i32 = arith.constant 0 : i32
    %c0_i32_0 = arith.constant 0 : i32
    return %arg0, %c0_i32 : i32, i32
  }
  func.func @transform_2(%arg0: i32) -> (i32, i32) {
    %c0_i32 = arith.constant 0 : i32
    %c0_i32_0 = arith.constant 0 : i32
    return %arg0, %c0_i32 : i32, i32
  }
  func.func @transform_3(%arg0: i32) -> (i32, i32) {
    %c0_i32 = arith.constant 0 : i32
    %c0_i32_0 = arith.constant 0 : i32
    return %arg0, %c0_i32 : i32, i32
  }
  func.func @transform_4(%arg0: i32) -> (i32, i32) {
    %c0_i32 = arith.constant 0 : i32
    %c0_i32_0 = arith.constant 0 : i32
    return %arg0, %c0_i32 : i32, i32
  }
  func.func @transform_5(%arg0: i32) -> (i32, i32) {
    %c0_i32 = arith.constant 0 : i32
    %c0_i32_0 = arith.constant 0 : i32
    %c0_i32_1 = arith.constant 0 : i32
    return %c0_i32, %c0_i32_0 : i32, i32
  }
  func.func @transform_6(%arg0: i32) -> (i32, i32) {
    %c0_i32 = arith.constant 0 : i32
    %c0_i32_0 = arith.constant 0 : i32
    %c0_i32_1 = arith.constant 0 : i32
    return %c0_i32, %c0_i32_0 : i32, i32
  }
  func.func @transform_7(%arg0: i32) -> (i32, i32) {
    %c0_i32 = arith.constant 0 : i32
    %c0_i32_0 = arith.constant 0 : i32
    %c0_i32_1 = arith.constant 0 : i32
    return %c0_i32, %c0_i32_0 : i32, i32
  }
  func.func @transform_8(%arg0: i32) -> (i32, i32) {
    %c0_i32 = arith.constant 0 : i32
    %c0_i32_0 = arith.constant 0 : i32
    %c0_i32_1 = arith.constant 0 : i32
    return %c0_i32, %c0_i32_0 : i32, i32
  }
  func.func @transform_9(%arg0: i32) -> (i32, i32) {
    %c0_i32 = arith.constant 0 : i32
    %c0_i32_0 = arith.constant 0 : i32
    %c0_i32_1 = arith.constant 0 : i32
    return %c0_i32, %c0_i32_0 : i32, i32
  }
  func.func @transform_10(%arg0: i32) -> (i32, i32) {
    %c0_i32 = arith.constant 0 : i32
    %c0_i32_0 = arith.constant 0 : i32
    return %arg0, %c0_i32 : i32, i32
  }
  func.func @transform_11(%arg0: i32) -> (i32, i32) {
    %c0_i32 = arith.constant 0 : i32
    %c0_i32_0 = arith.constant 0 : i32
    return %arg0, %c0_i32 : i32, i32
  }
}

</mosaic_0001>

<sc_bundles>
// kernel: kernel.10.cloned.1.call-start
scs
__scs_entry_jumppad:
0x0: {  	(pc) =	sbr.rel $0x88, $3  }
0x1: {  	(tag) =	ssettag $0x0;
	lr =	simm.s32 $0x1  }
0x2: {  	[smem:$0x3F93] =	sst lr;
	_ =	strace $0xD0000000  }
0x3: {  	_ = 	snop  }
0x4: {  	_ = 	snop  }
0x5: {  	_ = 	snop  }
0x6: {  	_ = 	snop  }
0x7: {  	_ = 	snop  }
__scs_overlays_trampoline_lowered:
0x8: {  	[smem:$0x3FA2] =	sst s0  }
0x9: {  	[smem:$0x3FA3] =	sst s1  }
0xa: {  	[smem:$0x3FA4] =	sst s2  }
0xb: {  	[smem:$0x3FA5] =	sst s3  }
0xc: {  	[smem:$0x3FA6] =	sst s4  }
0xd: {  	[smem:$0x3FA7] =	sst s5  }
0xe: {  	[smem:$0x3FA8] =	sst s6  }
0xf: {  	[smem:$0x3FA9] =	sst s7  }
0x10: {  	[smem:$0x3FAA] =	sst s8  }
0x11: {  	[smem:$0x3FAB] =	sst s9;
	s0 =	simm.s32 @!p0 $0x0  }
0x12: {  	s1 =	sld [smem:$0x3F91];
	s0 =	simm.s32 @p0 $0x1  }
0x13: {  	[smem:$0x3FAC] =	sst s0;
	s0 =	simm.s32 @!p1 $0x0  }
0x14: {  	s2 =	sld [smem:$0x3F90];
	s0 =	simm.s32 @p1 $0x1  }
0x15: {  	[smem:$0x3FAD] =	sst s0;
	s0 =	simm.s32 @!p2 $0x0  }
0x16: {  	s3 =	sld [smem:$0x3FDB];
	s0 =	simm.s32 @p2 $0x1  }
0x17: {  	s4 =	simm.s32 $0x1BF5;
	[smem:$0x3FAF] =	sst s0  }
0x18: {  	s0 =	sld [smem:$0x3F92];
	_ =	swait.ge [sflag:s4], $0x0  }
0x19: {  	s7 =	sld [smem:$0x3F93]  }
0x1a: {  	s8 =	sadd.s32 $0xFFFFE003, lr  }
0x1b: {  	s9 =	sadd.s32 $0xFFFFFEF7, lr;
	s5 =	simm.s32 $0xFFFFFFFF;
	p2 =	slt.u32 s8, $0xFFFFF086  }
0x1c: {  	p1 =	slt.u32 s9, $0xF7A;
	s5 =	simm.s32 @!p2 $0x0  }
0x1d: {  	s5 =	simm.s32 @p1 $0x1;
	p0 =	seq.s32 s7, s2  }
0x1e: {  	s7 =	smul.u32 @!p0 $0xF7A, s2;
	p2 =	seq.s32 @!p0 s5, $0x0  }
0x1f: {  	s9 =	smul.u32 $0xF7A, s1;
	s8 =	simm.s32 @!p0 $0x1BF5;
	p2 =	por !p2, p0  }
0x20: {  	[sflag:s8] =	ssyncset.s32 @!p0 $0xFFFFF086;
	s6 =	sadd.s32 @!p0 s3, s7;
	s7 =	simm.s32 @!p0 $0x108  }
0x21: {  	s3 =	sadd.s32 s3, s9;
	s6 =	sadd.s32 @!p0 $0x88, s6;
	s7 =	simm.s32 @p2 $0x1082  }
0x22: {  	[simem:s7], [sflag:s8] =	dma.local @!p0 [hbm:s6], $0xF7A  }
0x23: {  	s9 =	sor.u32 $0xD0000000, s2;
	s6 =	simm.s32 $0x108;
	_ =	swait.ge @!p0 [sflag:s8], $0x0  }
0x24: {  	s3 =	sadd.s32 $0x88, s3;
	s6 =	simm.s32 @!p1 $0x1082;
	[sflag:s4] =	ssyncset.s32 $0xFFFFF086  }
0x25: {  	[simem:s6], [sflag:s4] =	dma.local [hbm:s3], $0xF7A  }
0x26: {  	[smem:$0x3F93] =	sst s1;
	(tag) =	ssettag s2;
	_ =	strace s9  }
0x27: {  	s1 =	sld [smem:$0x3FA3]  }
0x28: {  	s2 =	sld [smem:$0x3FA4]  }
0x29: {  	s4 =	sld [smem:$0x3FA6]  }
0x2a: {  	p0 =	seq.s32 s5, $0x0;
	s5 =	sld [smem:$0x3FA7]  }
0x2b: {  	s6 =	sld [smem:$0x3FA8]  }
0x2c: {  	s7 =	sld [smem:$0x3FA9]  }
0x2d: {  	s3 =	simm.s32 $0x108;
	s8 =	sld [smem:$0x3FAA]  }
0x2e: {  	s3 =	simm.s32 @!p0 $0x1082;
	s9 =	sld [smem:$0x3FAB]  }
0x2f: {  	lr =	sadd.s32 s0, s3;
	s0 =	sld [smem:$0x3FA2]  }
0x30: {  	s3 =	sld [smem:$0x3FA5]  }
0x31: {  	[smem:$0x3FAE] =	sst s10  }
0x32: {  	s10 =	sld [smem:$0x3FAC];
	_ =	sdelay $0x3  }
0x33: {  	p0 =	seq.s32 s10, $0x1;
	s10 =	sld [smem:$0x3FAE];
	_ =	sdelay $0x3  }
0x34: {  	[smem:$0x3FAE] =	sst s10  }
0x35: {  	s10 =	sld [smem:$0x3FAD];
	_ =	sdelay $0x3  }
0x36: {  	p1 =	seq.s32 s10, $0x1;
	s10 =	sld [smem:$0x3FAE];
	_ =	sdelay $0x3  }
0x37: {  	[smem:$0x3FAE] =	sst s10  }
0x38: {  	s10 =	sld [smem:$0x3FAF]  }
0x39: {  	_ = 	snop;
	(pc) =	sbr.ind lr, $3  }
0x3a: {  	_ = 	snop  }
0x3b: {  	_ = 	snop  }
0x3c: {  	p2 =	seq.s32 s10, $0x1;
	s10 =	sld [smem:$0x3FAE]  }
0x3d: {  	_ =	shalt  }
0x3e: {  	_ =	shalt  }
0x3f: {  	_ =	shalt  }
0x40: {  	_ =	shalt  }
0x41: {  	_ =	shalt  }
0x42: {  	_ =	shalt  }
0x43: {  	_ =	shalt  }
0x44: {  	_ =	shalt  }
0x45: {  	_ =	shalt  }
0x46: {  	_ =	shalt  }
0x47: {  	_ =	shalt  }
0x48: {  	_ =	shalt  }
0x49: {  	_ =	shalt  }
0x4a: {  	_ =	shalt  }
0x4b: {  	_ =	shalt  }
0x4c: {  	_ =	shalt  }
0x4d: {  	_ =	shalt  }
0x4e: {  	_ =	shalt  }
0x4f: {  	_ =	shalt  }
0x50: {  	_ =	shalt  }
0x51: {  	_ =	shalt  }
0x52: {  	_ =	shalt  }
0x53: {  	_ =	shalt  }
0x54: {  	_ =	shalt  }
0x55: {  	_ =	shalt  }
0x56: {  	_ =	shalt  }
0x57: {  	_ =	shalt  }
0x58: {  	_ =	shalt  }
0x59: {  	_ =	shalt  }
0x5a: {  	_ =	shalt  }
0x5b: {  	_ =	shalt  }
0x5c: {  	_ =	shalt  }
0x5d: {  	_ =	shalt  }
0x5e: {  	_ =	shalt  }
0x5f: {  	_ =	shalt  }
0x60: {  	_ =	shalt  }
0x61: {  	_ =	shalt  }
0x62: {  	_ =	shalt  }
0x63: {  	_ =	shalt  }
0x64: {  	_ =	shalt  }
0x65: {  	_ =	shalt  }
0x66: {  	_ =	shalt  }
0x67: {  	_ =	shalt  }
0x68: {  	_ =	shalt  }
0x69: {  	_ =	shalt  }
0x6a: {  	_ =	shalt  }
0x6b: {  	_ =	shalt  }
0x6c: {  	_ =	shalt  }
0x6d: {  	_ =	shalt  }
0x6e: {  	_ =	shalt  }
0x6f: {  	_ =	shalt  }
0x70: {  	_ =	shalt  }
0x71: {  	_ =	shalt  }
0x72: {  	_ =	shalt  }
0x73: {  	_ =	shalt  }
0x74: {  	_ =	shalt  }
0x75: {  	_ =	shalt  }
0x76: {  	_ =	shalt  }
0x77: {  	_ =	shalt  }
0x78: {  	_ =	shalt  }
0x79: {  	_ =	shalt  }
0x7a: {  	_ =	shalt  }
0x7b: {  	_ =	shalt  }
0x7c: {  	_ =	shalt  }
0x7d: {  	_ =	shalt  }
0x7e: {  	_ =	shalt  }
0x7f: {  	_ =	shalt  }
0x80: {  	_ =	shalt  }
0x81: {  	_ =	shalt  }
0x82: {  	_ =	shalt  }
0x83: {  	_ =	shalt  }
0x84: {  	_ =	shalt  }
0x85: {  	_ =	shalt  }
0x86: {  	_ =	shalt  }
0x87: {  	_ =	shalt  }
.Lfunc_end0:
.L_simem_size_0:
called_computation.1_lowered:
.L_overlay_start_0:
0x88: {  	s2 =	sld [smem:$0x3FD9]  }
0x89: {  	s3 =	sld [smem:$0x3FFE];
	_ =	sdelay $0x1  }
0x8a: {  	s1 =	srdreg.scid  }
0x8b: {  	s0 =	sand.u32 $0x1, s1  }
0x8c: {  	s14 =	sshll.u32 s0, $0xA;
	s2 =	sadd.s32 s3, s2  }
0x8d: {  	s2 =	sadd.s32 s2, s14  }
0x8e: {  	[smem:$0x3FBA] =	sst s2  }
0x8f: {  	_ = 	snop  }
0x90: {  	s2 =	sld [smem:$0x3FD0];
	_ =	sdelay $0x2  }
0x91: {  	s15 =	simm.s32 $0xA;
	s4 =	simm.s32 $0x10  }
0x92: {  	[smem:s4], [sflag:s15] =	dma.local [hbm:s2], $0x1  }
0x93: {  	_ =	swait.eq [sflag:s15], $0x1  }
0x94: {  	[sflag:s15] =	ssyncset.done $0x0  }
0x95: {  	[sflag:s15] =	ssyncadd.s32 $0xFFFFFFFF  }
0x96: {  	s16 =	sld [smem:$0x10];
	(tm) =	ssettm $0x1  }
0x97: {  	s17 =	sld [smem:$0x3FFB];
	_ =	sdelay $0x3  }
0x98: {  	_ =	strace s17  }
0x99: {  	s3 =	sld [smem:$0x3FFC];
	_ =	sdelay $0x3  }
0x9a: {  	_ =	strace s3  }
0x9b: {  	s3 =	sld [smem:$0x3FFD];
	_ =	sdelay $0x3  }
0x9c: {  	_ =	strace s3  }
0x9d: {  	_ =	strace $0x8FFFFFFF  }
0x9e: {  	s18 =	sld [smem:$0x3FDB];
	_ =	sdelay $0x1  }
0x9f: {  	s19 =	simm.s32 $_scs_section_size  }
0xa0: {  	s5 =	simm.s32 $_size__tile_overlayer_lowered;
	s6 =	simm.s32 $_tile_overlayer_lowered  }
0xa1: {  	s22 =	simm.s32 $0x1BFF;
	s21 =	sshll.u32 s6, $0x1;
	s3 =	sadd.s32 s19, s18  }
0xa2: {  	s7 =	simm.s32 $0x0;
	s20 =	sshll.u32 s5, $0x1;
	s5 =	sadd.s32 s21, s3  }
0xa3: {  	[timem:s7], [sflag:s22] =	dma.local [hbm:s5], s20  }
0xa4: {  	_ =	swait.ge [sflag:s22], s20  }
0xa5: {  	s4 =	ssub.s32 $0x0, s20;
	[sflag:s22] =	ssyncset.done $0x0  }
0xa6: {  	[sflag:s22] =	ssyncadd.s32 s4;
	_ =	sdelay $0x1  }
0xa7: {  	s23 =	simm.s32 $0x1B8B  }
0xa8: {  	_ =	swait.ge [sflag:s23], $0x1  }
0xa9: {  	[sflag:s23] =	ssyncset.done $0x0  }
0xaa: {  	s25 =	simm.s32 $0x1B8E;
	s24 =	sld [smem:$0x3FFE];
	[sflag:s23] =	ssyncadd.s32 $0xFFFFFFFF  }
0xab: {  	s26 =	simm.s32 $execute0_lowered;
	[smem:$0x3FD2] =	sst s25  }
0xac: {  	s5 =	sshll.u32 s26, $0x1;
	_ =	strace $0x80000049;
	[dreg:$0x1] =	wrdreg $0xFFFFFFFF  }
0xad: {  	s28 =	simm.s32 $_size_execute0_lowered;
	s3 =	sadd.s32 s3, s5;
	[dreg:$0x0] =	wrdreg $0x0  }
0xae: {  	s5 =	sshll.u32 s28, $0x1;
	[dreg:$0x2] =	wrdreg s3  }
0xaf: {  	[dreg:$0x3] =	wrdreg s5  }
0xb0: {  	[dreg:$0x4] =	wrdreg $0xC0  }
0xb1: {  	_ =	task [dreg:s7], $0x5FFFF  }
0xb2: {  	[dreg:$0x1] =	wrdreg $0xFFFFFFFF  }
0xb3: {  	[dreg:$0x0] =	wrdreg $0x60  }
0xb4: {  	[dreg:$0x2] =	wrdreg s24  }
0xb5: {  	[dreg:$0x3] =	wrdreg s16  }
0xb6: {  	[dreg:$0x4] =	wrdreg $0x6C800  }
0xb7: {  	[dreg:$0x5] =	wrdreg $0x1AC800  }
0xb8: {  	[dreg:$0x6] =	wrdreg $0x9  }
0xb9: {  	_ =	task.clear_ibuf [dreg:s7], $0x7FFFF;
	_ =	strace $0x90000049  }
0xba: {  	s29 =	simm.s32 $0x9;
	_ =	strace $0x8000004B  }
0xbb: {  	_ =	swait.ge [sflag:s29], $0x1  }
0xbc: {  	[sflag:s29] =	ssyncadd.s32 $0xFFFFFFFF  }
0xbd: {  	_ =	strace $0x9000004B  }
0xbe: {  	_ =	sfence  }
0xbf: {  	s30 =	sld [smem:$0x0];
	_ =	sdelay $0x2  }
0xc0: {  	s31 =	sshll.u32 s1, $0xD;
	s1 =	sshrl.u32 s1, $0x2  }
0xc1: {  	s3 =	sand.u32 $0x4000, s31;
	s1 =	sadd.s32 s1, s30  }
0xc2: {  	s0 =	sor.u32 s3, s0;
	s1 =	sshll.u32 s1, $0x11  }
0xc3: {  	s0 =	sor.u32 s1, s0  }
0xc4: {  	s0 =	sadd.s32 $0x8F2B, s0  }
0xc5: {  	[sflag:s0] =	ssyncadd.remote.s32 $0x1  }
0xc6: {  	_ =	sfence.sel $0xFFFF  }
0xc7: {  	[dreg:$0x0] =	wrdreg $0xFFFFFFFF;
	(pc) =	sbr.abs _section_cstart, $3  }
0xc8: {  	[dreg:$0x1] =	wrdreg $0xFFFFFFFF  }
0xc9: {  	_ =	task.clear_ibuf [dreg:s7], $0x2FFFF;
	_ =	strace $0x9FFFFFFF  }
0xca: {  	(tm) =	ssettm $0x7FFFFFFF  }
0xcb: {  	_ =	shalt  }
tec
execute0_lowered:
.L_overlay_start_1:
0x0: {  	(tag) =	ssettag $0x1  }
0x1: {  	s0 =	rddreg [dreg:$0x0]  }
0x2: {  	s7 =	rddreg [dreg:$0x1]  }
0x3: {  	s1 =	rddreg [dreg:$0x2]  }
0x4: {  	s2 =	rddreg [dreg:$0x3];
	s14 =	stileid.u32  }
0x5: {  	s3 =	srdreg.scid;
	s4 =	simm.s32 $0x0;
	s6 =	smul.u32 $0x14000, s14  }
0x6: {  	s28 =	simm.s32 $0x1;
	s29 =	simm.s32 $0x2;
	s10 =	smul.u32 $0x2800, s14  }
0x7: {  	s30 =	simm.s32 $0x0;
	s3 =	sand.u32 $0x1, s3;
	s15 =	smul.u32 $0x50000, s14  }
0x8: {  	[smem:$0x7FF] =	sst s4;
	s8 =	sadd.s32 $0x53A800, s0;
	s19 =	smul.u32 $0xA000, s14  }
0x9: {  	s9 =	sadd.s32 $0xA3A800, s0;
	s11 =	sadd.s32 $0x26600, s0;
	s5 =	smul.u32 $0x140000, s3  }
0xa: {  	_ =	strace $0x8000004A;
	s13 =	smul.u32 $0x28000, s3;
	s3 =	ssub.s32 $0x2, s3  }
0xb: {  	s12 =	sshrl.u32 s3, $0x1;
	s21 =	sshrl.u32 s15, $0x2;
	s22 =	sshrl.u32 s19, $0x2  }
0xc: {  	s5 =	sadd.s32 s6, s5;
	s13 =	sadd.s32 s10, s13;
	s3 =	ssub.s32 s3, s12  }
0xd: {  	s6 =	sadd.s32 s21, s1;
	s5 =	sshrl.u32 s5, $0x3;
	s16 =	sshrl.u32 s13, $0x3  }
0xe: {  	s18 =	sshll.u32 s13, $0x4;
	s3 =	smax.u32 s3, $0x1;
	s19 =	sor.u32 $0x80, s13  }
0xf: {  	s0 =	sadd.s32 s5, s0;
	s17 =	sadd.s32 s11, s16;
	[dreg:$0x8] =	wrdreg s3  }
0x10: {  	s5 =	smul.u32 $0x280, s14;
	s20 =	sadd.s32 s8, s18;
	[dreg:$0x5] =	wrdreg s17  }
0x11: {  	s10 =	sadd.s32 s9, s18;
	s15 =	sshll.u32 s19, $0x4;
	[dreg:$0x6] =	wrdreg s20  }
0x12: {  	s21 =	sshrl.u32 s19, $0x3;
	[dreg:$0x7] =	wrdreg s10;
	s10 =	sadd.s32 s22, s2  }
0x13: {  	s17 =	sor.u32 $0x40, s13;
	s14 =	sadd.s32 s15, s8;
	s15 =	sadd.s32 s15, s9  }
0x14: {  	s23 =	sor.u32 $0x40, s5;
	s18 =	sadd.s32 $0x80, s5;
	s26 =	sshll.u32 s17, $0x4  }
0x15: {  	s20 =	sshrl.u32 s17, $0x3;
	s22 =	sadd.s32 $0xC0, s5;
	s24 =	sshll.u32 s23, $0x7  }
0x16: {  	s25 =	sshll.u32 s23, $0x4;
	s12 =	sadd.s32 s26, s8;
	s13 =	sadd.s32 s26, s9  }
0x17: {  	s31 =	sshll.u32 s18, $0x7;
	s18 =	sshll.u32 s18, $0x4;
	s8 =	sadd.s32 s21, s11  }
0x18: {  	s21 =	sadd.s32 s16, s7;
	s3 =	sadd.s32 s24, s1;
	[dreg:$0xd] =	wrdreg s8  }
0x19: {  	s23 =	sshll.u32 s22, $0x7;
	s9 =	sadd.s32 s31, s1;
	[dreg:$0x9] =	wrdreg s3  }
0x1a: {  	s8 =	sshll.u32 s22, $0x4;
	s7 =	sadd.s32 s23, s1;
	[dreg:$0xb] =	wrdreg s9  }
0x1b: {  	s31 =	sadd.s32 $0x140, s5;
	s3 =	sadd.s32 s25, s2;
	[dreg:$0xe] =	wrdreg s7  }
0x1c: {  	s24 =	sadd.s32 s8, s2;
	s25 =	sadd.s32 $0x100, s5;
	[dreg:$0xa] =	wrdreg s3  }
0x1d: {  	s9 =	sshll.u32 s31, $0x4;
	s3 =	sadd.s32 s18, s2;
	[dreg:$0xf] =	wrdreg s24  }
0x1e: {  	s26 =	sshll.u32 s25, $0x7;
	s7 =	sshll.u32 s25, $0x4;
	s18 =	sadd.s32 $0x1C0, s5  }
0x1f: {  	[dreg:$0xc] =	wrdreg s3;
	s3 =	sadd.s32 s20, s11;
	s8 =	sadd.s32 s26, s1  }
0x20: {  	s7 =	sadd.s32 s7, s2;
	s11 =	sadd.s32 $0x180, s5;
	s19 =	sshll.u32 s18, $0x7  }
0x21: {  	s20 =	sadd.s32 $0x200, s5;
	s5 =	sadd.s32 $0x240, s5;
	[dreg:$0x10] =	wrdreg s8  }
0x22: {  	[dreg:$0x11] =	wrdreg s7;
	s8 =	sshll.u32 s31, $0x7;
	s16 =	sshll.u32 s11, $0x7  }
0x23: {  	s22 =	sshll.u32 s20, $0x7;
	s24 =	sshll.u32 s5, $0x7;
	s7 =	sadd.s32 s8, s1  }
0x24: {  	s25 =	sshll.u32 s5, $0x4;
	s26 =	sadd.s32 s24, s1;
	[dreg:$0x12] =	wrdreg s7  }
0x25: {  	s23 =	sshll.u32 s20, $0x4;
	s31 =	sadd.s32 s25, s2;
	[dreg:$0x1a] =	wrdreg s26  }
0x26: {  	s8 =	sshll.u32 s11, $0x4;
	s7 =	sadd.s32 s9, s2;
	[dreg:$0x1b] =	wrdreg s31  }
0x27: {  	s11 =	simm.s32 $0x4880;
	s17 =	sadd.s32 s8, s2;
	[dreg:$0x13] =	wrdreg s7  }
0x28: {  	s24 =	simm.s32 $0x40;
	s8 =	sadd.s32 s19, s1;
	[dreg:$0x15] =	wrdreg s17  }
0x29: {  	s25 =	simm.s32 $0x2080;
	s7 =	sadd.s32 s16, s1;
	[dreg:$0x16] =	wrdreg s8  }
0x2a: {  	s26 =	simm.s32 $0x4480;
	[dreg:$0x14] =	wrdreg s7;
	s7 =	sshll.u32 s18, $0x4  }
0x2b: {  	s8 =	sadd.s32 $0x30600, s0;
	s16 =	simm.s32 $0x3;
	s7 =	sadd.s32 s7, s2  }
0x2c: {  	s17 =	simm.s32 $0x6880;
	[dreg:$0x17] =	wrdreg s7;
	s7 =	sadd.s32 s22, s1  }
0x2d: {  	s18 =	simm.s32 $0x80;
	[dreg:$0x18] =	wrdreg s7;
	s7 =	sadd.s32 s23, s2  }
0x2e: {  	v0 =	vimm.f32 $0.0e+00;
	s22 =	simm.s32 $0x10;
	s23 =	simm.s32 $0x4080;
	[dreg:$0x19] =	wrdreg s7  }
.LBB2_1:
0x2f: {  	s0 =	simm.s32 $0x48C0  }
0x30: {  	[tilespmem:s0+$0xFFFFFFD0] =	vst v0  }
0x31: {  	[tilespmem:s0+$0xFFFFFFE0] =	vst v0  }
0x32: {  	[tilespmem:s0+$0xFFFFFFF0] =	vst v0  }
0x33: {  	[tilespmem:s0+$0x0] =	vst v0  }
0x34: {  	[tilespmem:s0+$0x10] =	vst v0  }
0x35: {  	[tilespmem:s0+$0x20] =	vst v0  }
0x36: {  	[tilespmem:s0+$0x30] =	vst v0  }
0x37: {  	s19 =	simm.s32 $0x0;
	s9 =	simm.s32 $0x40;
	[tilespmem:s0+$0xFFFFFFC0] =	vst v0  }
.LBB2_2:
0x38: {  	p0 =	sne.s32 s9, $0xFC0;
	[tilespmem:s19+$0x6880] =	vst v0;
	s0 =	sadd.s32 $0x80, s0  }
0x39: {  	[tilespmem:s0+$0xFFFFFFD0] =	vst v0  }
0x3a: {  	[tilespmem:s0+$0xFFFFFFE0] =	vst v0  }
0x3b: {  	[tilespmem:s0+$0xFFFFFFF0] =	vst v0  }
.Ltmp0:
0x3c: {  	[tilespmem:s0+$0x0] =	vst v0;
	(pc) =	sbr.rel @p0 .LBB2_2-.Ltmp0, $4  }
0x3d: {  	[tilespmem:s0+$0x10] =	vst v0  }
0x3e: {  	[tilespmem:s0+$0x20] =	vst v0  }
0x3f: {  	[tilespmem:s0+$0x30] =	vst v0  }
0x40: {  	s19 =	sshra.s32 s9, $0x2;
	s9 =	sadd.s32 $0x40, s9;
	[tilespmem:s0+$0xFFFFFFC0] =	vst v0  }
0x41: {  	[tilespmem:s19+$0x6880] =	vst v0  }
0x42: {  	[spmem:s6] =	stream.linear.scatter [tilespmem:s11], [sflag:$0x3], $0x2000, $0x38;
	[tilespmem:$0x1D480] =	vst v63  }
0x43: {  	_ =	swait.ge [sflag:s16], $0x2000  }
0x44: {  	[sflag:s16] =	ssyncset.done $0x0  }
0x45: {  	[sflag:s16] =	ssyncadd.s32 $0xFFFFE000  }
0x46: {  	[spmem:s10] =	stream.linear.scatter [tilespmem:s17], [sflag:$0x3], $0x400, $0x38;
	[tilespmem:$0x1D480] =	vst v63  }
0x47: {  	_ =	swait.ge [sflag:s16], $0x400  }
0x48: {  	[sflag:s16] =	ssyncset.done $0x0  }
0x49: {  	s0 =	rddreg [dreg:$0x9];
	[sflag:s16] =	ssyncadd.s32 $0xFFFFFC00  }
0x4a: {  	[spmem:s0] =	stream.linear.scatter [tilespmem:s11], [sflag:$0x3], $0x2000, $0x38;
	[tilespmem:$0x1D480] =	vst v63  }
0x4b: {  	_ =	swait.ge [sflag:s16], $0x2000  }
0x4c: {  	[sflag:s16] =	ssyncset.done $0x0  }
0x4d: {  	s9 =	rddreg [dreg:$0xa];
	[sflag:s16] =	ssyncadd.s32 $0xFFFFE000  }
0x4e: {  	[spmem:s9] =	stream.linear.scatter [tilespmem:s17], [sflag:$0x3], $0x400, $0x38;
	[tilespmem:$0x1D480] =	vst v63  }
0x4f: {  	_ =	swait.ge [sflag:s16], $0x400  }
0x50: {  	[sflag:s16] =	ssyncset.done $0x0  }
0x51: {  	s19 =	rddreg [dreg:$0xb];
	[sflag:s16] =	ssyncadd.s32 $0xFFFFFC00  }
0x52: {  	[spmem:s19] =	stream.linear.scatter [tilespmem:s11], [sflag:$0x3], $0x2000, $0x38;
	[tilespmem:$0x1D480] =	vst v63  }
0x53: {  	_ =	swait.ge [sflag:s16], $0x2000  }
0x54: {  	[sflag:s16] =	ssyncset.done $0x0  }
0x55: {  	s20 =	rddreg [dreg:$0xc];
	[sflag:s16] =	ssyncadd.s32 $0xFFFFE000  }
0x56: {  	[spmem:s20] =	stream.linear.scatter [tilespmem:s17], [sflag:$0x3], $0x400, $0x38;
	[tilespmem:$0x1D480] =	vst v63  }
0x57: {  	_ =	swait.ge [sflag:s16], $0x400  }
0x58: {  	[sflag:s16] =	ssyncset.done $0x0  }
0x59: {  	s5 =	rddreg [dreg:$0xe];
	[sflag:s16] =	ssyncadd.s32 $0xFFFFFC00  }
0x5a: {  	[spmem:s5] =	stream.linear.scatter [tilespmem:s11], [sflag:$0x3], $0x2000, $0x38;
	[tilespmem:$0x1D480] =	vst v63  }
0x5b: {  	_ =	swait.ge [sflag:s16], $0x2000  }
0x5c: {  	[sflag:s16] =	ssyncset.done $0x0  }
0x5d: {  	s7 =	rddreg [dreg:$0xf];
	[sflag:s16] =	ssyncadd.s32 $0xFFFFE000  }
0x5e: {  	[spmem:s7] =	stream.linear.scatter [tilespmem:s17], [sflag:$0x3], $0x400, $0x38;
	[tilespmem:$0x1D480] =	vst v63  }
0x5f: {  	_ =	swait.ge [sflag:s16], $0x400  }
0x60: {  	[sflag:s16] =	ssyncset.done $0x0  }
0x61: {  	s9 =	rddreg [dreg:$0x10];
	[sflag:s16] =	ssyncadd.s32 $0xFFFFFC00  }
0x62: {  	[spmem:s9] =	stream.linear.scatter [tilespmem:s11], [sflag:$0x3], $0x2000, $0x38;
	[tilespmem:$0x1D480] =	vst v63  }
0x63: {  	_ =	swait.ge [sflag:s16], $0x2000  }
0x64: {  	[sflag:s16] =	ssyncset.done $0x0  }
0x65: {  	s19 =	rddreg [dreg:$0x11];
	[sflag:s16] =	ssyncadd.s32 $0xFFFFE000  }
0x66: {  	[spmem:s19] =	stream.linear.scatter [tilespmem:s17], [sflag:$0x3], $0x400, $0x38;
	[tilespmem:$0x1D480] =	vst v63  }
0x67: {  	_ =	swait.ge [sflag:s16], $0x400  }
0x68: {  	[sflag:s16] =	ssyncset.done $0x0  }
0x69: {  	s20 =	rddreg [dreg:$0x12];
	[sflag:s16] =	ssyncadd.s32 $0xFFFFFC00  }
0x6a: {  	[spmem:s20] =	stream.linear.scatter [tilespmem:s11], [sflag:$0x3], $0x2000, $0x38;
	[tilespmem:$0x1D480] =	vst v63  }
0x6b: {  	_ =	swait.ge [sflag:s16], $0x2000  }
0x6c: {  	[sflag:s16] =	ssyncset.done $0x0  }
0x6d: {  	s5 =	rddreg [dreg:$0x13];
	[sflag:s16] =	ssyncadd.s32 $0xFFFFE000  }
0x6e: {  	[spmem:s5] =	stream.linear.scatter [tilespmem:s17], [sflag:$0x3], $0x400, $0x38;
	[tilespmem:$0x1D480] =	vst v63  }
0x6f: {  	_ =	swait.ge [sflag:s16], $0x400  }
0x70: {  	[sflag:s16] =	ssyncset.done $0x0  }
0x71: {  	s7 =	rddreg [dreg:$0x14];
	[sflag:s16] =	ssyncadd.s32 $0xFFFFFC00  }
0x72: {  	[spmem:s7] =	stream.linear.scatter [tilespmem:s11], [sflag:$0x3], $0x2000, $0x38;
	[tilespmem:$0x1D480] =	vst v63  }
0x73: {  	_ =	swait.ge [sflag:s16], $0x2000  }
0x74: {  	[sflag:s16] =	ssyncset.done $0x0  }
0x75: {  	s9 =	rddreg [dreg:$0x15];
	[sflag:s16] =	ssyncadd.s32 $0xFFFFE000  }
0x76: {  	[spmem:s9] =	stream.linear.scatter [tilespmem:s17], [sflag:$0x3], $0x400, $0x38;
	[tilespmem:$0x1D480] =	vst v63  }
0x77: {  	_ =	swait.ge [sflag:s16], $0x400  }
0x78: {  	[sflag:s16] =	ssyncset.done $0x0  }
0x79: {  	s19 =	rddreg [dreg:$0x16];
	[sflag:s16] =	ssyncadd.s32 $0xFFFFFC00  }
0x7a: {  	[spmem:s19] =	stream.linear.scatter [tilespmem:s11], [sflag:$0x3], $0x2000, $0x38;
	[tilespmem:$0x1D480] =	vst v63  }
0x7b: {  	_ =	swait.ge [sflag:s16], $0x2000  }
0x7c: {  	[sflag:s16] =	ssyncset.done $0x0  }
0x7d: {  	s20 =	rddreg [dreg:$0x17];
	[sflag:s16] =	ssyncadd.s32 $0xFFFFE000  }
0x7e: {  	[spmem:s20] =	stream.linear.scatter [tilespmem:s17], [sflag:$0x3], $0x400, $0x38;
	[tilespmem:$0x1D480] =	vst v63  }
0x7f: {  	_ =	swait.ge [sflag:s16], $0x400  }
0x80: {  	[sflag:s16] =	ssyncset.done $0x0  }
0x81: {  	s5 =	rddreg [dreg:$0x18];
	[sflag:s16] =	ssyncadd.s32 $0xFFFFFC00  }
0x82: {  	[spmem:s5] =	stream.linear.scatter [tilespmem:s11], [sflag:$0x3], $0x2000, $0x38;
	[tilespmem:$0x1D480] =	vst v63  }
0x83: {  	_ =	swait.ge [sflag:s16], $0x2000  }
0x84: {  	[sflag:s16] =	ssyncset.done $0x0  }
0x85: {  	s7 =	rddreg [dreg:$0x19];
	[sflag:s16] =	ssyncadd.s32 $0xFFFFE000  }
0x86: {  	[spmem:s7] =	stream.linear.scatter [tilespmem:s17], [sflag:$0x3], $0x400, $0x38;
	[tilespmem:$0x1D480] =	vst v63  }
0x87: {  	_ =	swait.ge [sflag:s16], $0x400  }
0x88: {  	[sflag:s16] =	ssyncset.done $0x0  }
0x89: {  	s9 =	rddreg [dreg:$0x1a];
	[sflag:s16] =	ssyncadd.s32 $0xFFFFFC00  }
0x8a: {  	[spmem:s9] =	stream.linear.scatter [tilespmem:s11], [sflag:$0x3], $0x2000, $0x38;
	[tilespmem:$0x1D480] =	vst v63  }
0x8b: {  	_ =	swait.ge [sflag:s16], $0x2000  }
0x8c: {  	[sflag:s16] =	ssyncset.done $0x0  }
0x8d: {  	s19 =	rddreg [dreg:$0x1b];
	[sflag:s16] =	ssyncadd.s32 $0xFFFFE000  }
0x8e: {  	[spmem:s19] =	stream.linear.scatter [tilespmem:s17], [sflag:$0x3], $0x400, $0x38;
	[tilespmem:$0x1D480] =	vst v63  }
0x8f: {  	_ =	swait.ge [sflag:s16], $0x400  }
0x90: {  	[sflag:s16] =	ssyncset.done $0x0  }
0x91: {  	[sflag:s16] =	ssyncadd.s32 $0xFFFFFC00  }
0x92: {  	[bflag:$0x0] =	sbarrier.arrive $0xFFFF  }
0x93: {  	s20 =	simm.s32 $0x0;
	s5 =	rddreg [dreg:$0x5]  }
0x94: {  	[tilespmem:s20], [sflag:$0x1] =	stream.linear.gather [hbm4b:s5+s20], $0x40, $0x38;
	[tilespmem:$0x1D480] =	vst v63  }
0x95: {  	s7 =	rddreg [dreg:$0x6]  }
0x96: {  	[tilespmem:s18], [sflag:$0x1] =	stream.linear.gather [hbm4b:s7+s20], $0x2000, $0x38;
	[tilespmem:$0x1D480] =	vst v63  }
0x97: {  	s9 =	rddreg [dreg:$0x7]  }
0x98: {  	[tilespmem:s23], [sflag:$0x1] =	stream.strided.gather [hbm4b:s9+s22], $0x400, s18, s22, $0x38;
	[tilespmem:$0x1D480] =	vst v63  }
0x99: {  	_ = 	snop  }
0x9a: {  	[tilespmem:s24], [sflag:$0x2] =	stream.linear.gather [hbm4b:s3+s4], $0x40, $0x38;
	[tilespmem:$0x1D480] =	vst v63  }
0x9b: {  	s19 =	sadd.s32 $0x0, s12  }
0x9c: {  	[tilespmem:s25], [sflag:$0x2] =	stream.linear.gather [hbm4b:s19+s4], $0x2000, $0x38;
	[tilespmem:$0x1D480] =	vst v63  }
0x9d: {  	s20 =	sadd.s32 $0x0, s13  }
0x9e: {  	[tilespmem:s26], [sflag:$0x2] =	stream.strided.gather [hbm4b:s20+s22], $0x400, s18, s22, $0x38;
	[tilespmem:$0x1D480] =	vst v63  }
0x9f: {  	_ =	swait.ge [sflag:s28], $0x40  }
0xa0: {  	[sflag:s28] =	ssyncset.done $0x0  }
0xa1: {  	[sflag:s28] =	ssyncadd.s32 $0xFFFFFFC0  }
0xa2: {  	_ =	swait.ge [sflag:s28], $0x2000  }
0xa3: {  	[sflag:s28] =	ssyncset.done $0x0  }
0xa4: {  	[sflag:s28] =	ssyncadd.s32 $0xFFFFE000  }
0xa5: {  	_ =	swait.ge [sflag:s28], $0x400  }
0xa6: {  	[sflag:s28] =	ssyncset.done $0x0  }
0xa7: {  	[sflag:s28] =	ssyncadd.s32 $0xFFFFFC00  }
0xa8: {  	[spmem:s1] =	stream.indirect.scatter.add.f32 [tilespmem:s18], [sflag:$0x3], $0x80, s4, s24, $0xb8;
	[tilespmem:$0x1D480] =	vst v63  }
0xa9: {  	_ =	swait.ge [sflag:s16], $0x2000  }
0xaa: {  	[sflag:s16] =	ssyncset.done $0x0  }
0xab: {  	[sflag:s16] =	ssyncadd.s32 $0xFFFFE000  }
0xac: {  	[spmem:s2] =	stream.indirect.scatter.add.f32 [tilespmem:s23], [sflag:$0x3], $0x10, s4, s24, $0xb8;
	[tilespmem:$0x1D480] =	vst v63  }
0xad: {  	_ =	swait.ge [sflag:s16], $0x400  }
0xae: {  	p0 =	por $0x0, $0x0;
	[sflag:s16] =	ssyncset.done $0x0  }
0xaf: {  	s0 =	simm.s32 @!p0 $0x0;
	s5 =	rddreg [dreg:$0xd];
	[sflag:s16] =	ssyncadd.s32 $0xFFFFFC00  }
0xb0: {  	[tilespmem:s0], [sflag:$0x1] =	stream.linear.gather @!p0 [hbm4b:s5+s0], $0x40, $0x38;
	[tilespmem:$0x1D480] =	vst v63  }
0xb1: {  	s9 =	sadd.s32 @!p0 $0x0, s14;
	s19 =	simm.s32 @!p0 $0x80  }
0xb2: {  	[tilespmem:s19], [sflag:$0x1] =	stream.linear.gather @!p0 [hbm4b:s9+s0], $0x2000, $0x38;
	[tilespmem:$0x1D480] =	vst v63  }
0xb3: {  	s31 =	simm.s32 @!p0 $0x4080;
	s0 =	sadd.s32 @!p0 $0x0, s15;
	s9 =	simm.s32 @!p0 $0x10  }
0xb4: {  	[tilespmem:s31], [sflag:$0x1] =	stream.strided.gather @!p0 [hbm4b:s0+s9], $0x400, s19, s9, $0x38;
	[tilespmem:$0x1D480] =	vst v63  }
0xb5: {  	_ =	swait.ge [sflag:s29], $0x40  }
0xb6: {  	[sflag:s29] =	ssyncset.done $0x0  }
0xb7: {  	[sflag:s29] =	ssyncadd.s32 $0xFFFFFFC0  }
0xb8: {  	_ =	swait.ge [sflag:s29], $0x2000  }
0xb9: {  	[sflag:s29] =	ssyncset.done $0x0  }
0xba: {  	[sflag:s29] =	ssyncadd.s32 $0xFFFFE000  }
0xbb: {  	_ =	swait.ge [sflag:s29], $0x400  }
0xbc: {  	[sflag:s29] =	ssyncset.done $0x0  }
0xbd: {  	[sflag:s29] =	ssyncadd.s32 $0xFFFFFC00  }
0xbe: {  	[spmem:s1] =	stream.indirect.scatter.add.f32 [tilespmem:s25], [sflag:$0x3], $0x80, s24, s24, $0xb8;
	[tilespmem:$0x1D480] =	vst v63  }
0xbf: {  	_ =	swait.ge [sflag:s16], $0x2000  }
0xc0: {  	[sflag:s16] =	ssyncset.done $0x0  }
0xc1: {  	[sflag:s16] =	ssyncadd.s32 $0xFFFFE000  }
0xc2: {  	[spmem:s2] =	stream.indirect.scatter.add.f32 [tilespmem:s26], [sflag:$0x3], $0x10, s24, s24, $0xb8;
	[tilespmem:$0x1D480] =	vst v63  }
0xc3: {  	s31 =	simm.s32 $0x800;
	_ =	swait.ge [sflag:s16], $0x400  }
0xc4: {  	s0 =	sadd.s32 $0x10, s5;
	s19 =	smov.u32 s3;
	[sflag:s16] =	ssyncset.done $0x0  }
.LBB2_4:
0xc5: {  	[sflag:s16] =	ssyncadd.s32 $0xFFFFFC00  }
0xc6: {  	s19 =	sadd.s32 $0x10, s19;
	s9 =	smov.u32 s31;
	s31 =	sadd.s32 $0x800, s31  }
0xc7: {  	[tilespmem:s24], [sflag:$0x2] =	stream.linear.gather [hbm4b:s19+s4], $0x40, $0x38;
	[tilespmem:$0x1D480] =	vst v63  }
0xc8: {  	s5 =	sadd.s32 s9, s12;
	p0 =	sne.s32 s31, $0x28000  }
0xc9: {  	[tilespmem:s25], [sflag:$0x2] =	stream.linear.gather [hbm4b:s5+s4], $0x2000, $0x38;
	[tilespmem:$0x1D480] =	vst v63  }
0xca: {  	s5 =	sadd.s32 s9, s13  }
0xcb: {  	[tilespmem:s26], [sflag:$0x2] =	stream.strided.gather [hbm4b:s5+s22], $0x400, s18, s22, $0x38;
	[tilespmem:$0x1D480] =	vst v63  }
0xcc: {  	_ =	swait.ge [sflag:s28], $0x40  }
0xcd: {  	[sflag:s28] =	ssyncset.done $0x0  }
0xce: {  	[sflag:s28] =	ssyncadd.s32 $0xFFFFFFC0  }
0xcf: {  	_ =	swait.ge [sflag:s28], $0x2000  }
0xd0: {  	[sflag:s28] =	ssyncset.done $0x0  }
0xd1: {  	[sflag:s28] =	ssyncadd.s32 $0xFFFFE000  }
0xd2: {  	_ =	swait.ge [sflag:s28], $0x400  }
0xd3: {  	[sflag:s28] =	ssyncset.done $0x0  }
0xd4: {  	[sflag:s28] =	ssyncadd.s32 $0xFFFFFC00  }
0xd5: {  	[spmem:s1] =	stream.indirect.scatter.add.f32 [tilespmem:s18], [sflag:$0x3], $0x80, s4, s24, $0xb8;
	[tilespmem:$0x1D480] =	vst v63  }
0xd6: {  	_ =	swait.ge [sflag:s16], $0x2000  }
0xd7: {  	[sflag:s16] =	ssyncset.done $0x0  }
0xd8: {  	[sflag:s16] =	ssyncadd.s32 $0xFFFFE000  }
0xd9: {  	[spmem:s2] =	stream.indirect.scatter.add.f32 [tilespmem:s23], [sflag:$0x3], $0x10, s4, s24, $0xb8;
	[tilespmem:$0x1D480] =	vst v63  }
0xda: {  	_ =	swait.ge [sflag:s16], $0x400  }
0xdb: {  	p1 =	seq.s32 s9, $0x27800;
	[sflag:s16] =	ssyncset.done $0x0  }
0xdc: {  	s5 =	simm.s32 @!p1 $0x0;
	[sflag:s16] =	ssyncadd.s32 $0xFFFFFC00  }
0xdd: {  	[tilespmem:s5], [sflag:$0x1] =	stream.linear.gather @!p1 [hbm4b:s0+s5], $0x40, $0x38;
	[tilespmem:$0x1D480] =	vst v63  }
0xde: {  	s7 =	sadd.s32 @!p1 s9, s14;
	s20 =	simm.s32 @!p1 $0x80  }
0xdf: {  	[tilespmem:s20], [sflag:$0x1] =	stream.linear.gather @!p1 [hbm4b:s7+s5], $0x2000, $0x38;
	[tilespmem:$0x1D480] =	vst v63  }
0xe0: {  	s5 =	sadd.s32 @!p1 s9, s15;
	s7 =	simm.s32 @!p1 $0x10;
	s9 =	simm.s32 @!p1 $0x4080  }
0xe1: {  	[tilespmem:s9], [sflag:$0x1] =	stream.strided.gather @!p1 [hbm4b:s5+s7], $0x400, s20, s7, $0x38;
	[tilespmem:$0x1D480] =	vst v63  }
0xe2: {  	_ =	swait.ge [sflag:s29], $0x40  }
0xe3: {  	[sflag:s29] =	ssyncset.done $0x0  }
0xe4: {  	[sflag:s29] =	ssyncadd.s32 $0xFFFFFFC0  }
0xe5: {  	_ =	swait.ge [sflag:s29], $0x2000  }
0xe6: {  	[sflag:s29] =	ssyncset.done $0x0  }
0xe7: {  	[sflag:s29] =	ssyncadd.s32 $0xFFFFE000  }
0xe8: {  	_ =	swait.ge [sflag:s29], $0x400  }
0xe9: {  	[sflag:s29] =	ssyncset.done $0x0  }
0xea: {  	[sflag:s29] =	ssyncadd.s32 $0xFFFFFC00  }
0xeb: {  	[spmem:s1] =	stream.indirect.scatter.add.f32 [tilespmem:s25], [sflag:$0x3], $0x80, s24, s24, $0xb8;
	[tilespmem:$0x1D480] =	vst v63  }
0xec: {  	_ =	swait.ge [sflag:s16], $0x2000  }
.Ltmp1:
0xed: {  	[sflag:s16] =	ssyncset.done $0x0;
	(pc) =	sbr.rel @p0 .LBB2_4-.Ltmp1, $4  }
0xee: {  	[sflag:s16] =	ssyncadd.s32 $0xFFFFE000  }
0xef: {  	[spmem:s2] =	stream.indirect.scatter.add.f32 [tilespmem:s26], [sflag:$0x3], $0x10, s24, s24, $0xb8;
	[tilespmem:$0x1D480] =	vst v63  }
0xf0: {  	_ =	swait.ge [sflag:s16], $0x400  }
0xf1: {  	s0 =	sadd.s32 $0x10, s0;
	[sflag:s16] =	ssyncset.done $0x0  }
0xf2: {  	[sflag:s16] =	ssyncadd.s32 $0xFFFFFC00  }
0xf3: {  	[bflag:$0x0] =	sbarrier.arrive $0xFFFF  }
0xf4: {  	[tilespmem:s11], [sflag:$0x3] =	stream.linear.gather [spmem:s6], $0x2000, $0x38;
	[tilespmem:$0x1D480] =	vst v63  }
0xf5: {  	_ =	swait.ge [sflag:s16], $0x2000  }
0xf6: {  	[sflag:s16] =	ssyncset.done $0x0  }
0xf7: {  	[sflag:s16] =	ssyncadd.s32 $0xFFFFE000  }
0xf8: {  	[hbm4b:s8+s4] =	stream.linear.scatter [tilespmem:s11], [sflag:$0x3], $0x2000, $0x38;
	[tilespmem:$0x1D480] =	vst v63  }
0xf9: {  	_ =	swait.ge [sflag:s16], $0x2000  }
0xfa: {  	[sflag:s16] =	ssyncset.done $0x0  }
0xfb: {  	[sflag:s16] =	ssyncadd.s32 $0xFFFFE000  }
0xfc: {  	[tilespmem:s17], [sflag:$0x3] =	stream.linear.gather [spmem:s10], $0x400, $0x38;
	[tilespmem:$0x1D480] =	vst v63  }
0xfd: {  	_ =	swait.ge [sflag:s16], $0x400  }
0xfe: {  	[sflag:s16] =	ssyncset.done $0x0  }
0xff: {  	s0 =	sadd.s32 $0x0, s21;
	[sflag:s16] =	ssyncadd.s32 $0xFFFFFC00  }
0x100: {  	[hbm4b:s0+s4] =	stream.linear.scatter [tilespmem:s17], [sflag:$0x3], $0x400, $0x38;
	[tilespmem:$0x1D480] =	vst v63  }
0x101: {  	s19 =	sadd.s32 $0x400, s8;
	s31 =	smov.u32 s10;
	_ =	swait.ge [sflag:s16], $0x400  }
0x102: {  	s9 =	smov.u32 s6;
	s0 =	simm.s32 $0x80;
	[sflag:s16] =	ssyncset.done $0x0  }
.LBB2_6:
0x103: {  	[sflag:s16] =	ssyncadd.s32 $0xFFFFFC00  }
0x104: {  	s31 =	sadd.s32 $0x400, s31;
	s9 =	sadd.s32 $0x2000, s9;
	s5 =	smov.u32 s0  }
0x105: {  	[tilespmem:s11], [sflag:$0x3] =	stream.linear.gather [spmem:s9], $0x2000, $0x38;
	[tilespmem:$0x1D480] =	vst v63  }
0x106: {  	p0 =	sne.s32 s0, $0x480;
	s0 =	sadd.s32 $0x80, s0;
	_ =	swait.ge [sflag:s16], $0x2000  }
0x107: {  	[sflag:s16] =	ssyncset.done $0x0  }
0x108: {  	[sflag:s16] =	ssyncadd.s32 $0xFFFFE000  }
0x109: {  	[hbm4b:s19+s4] =	stream.linear.scatter [tilespmem:s11], [sflag:$0x3], $0x2000, $0x38;
	[tilespmem:$0x1D480] =	vst v63  }
0x10a: {  	_ =	swait.ge [sflag:s16], $0x2000  }
0x10b: {  	[sflag:s16] =	ssyncset.done $0x0  }
0x10c: {  	[sflag:s16] =	ssyncadd.s32 $0xFFFFE000  }
0x10d: {  	[tilespmem:s17], [sflag:$0x3] =	stream.linear.gather [spmem:s31], $0x400, $0x38;
	[tilespmem:$0x1D480] =	vst v63  }
0x10e: {  	_ =	swait.ge [sflag:s16], $0x400  }
.Ltmp2:
0x10f: {  	[sflag:s16] =	ssyncset.done $0x0;
	(pc) =	sbr.rel @p0 .LBB2_6-.Ltmp2, $4  }
0x110: {  	s5 =	sadd.s32 s5, s21;
	[sflag:s16] =	ssyncadd.s32 $0xFFFFFC00  }
0x111: {  	[hbm4b:s5+s4] =	stream.linear.scatter [tilespmem:s17], [sflag:$0x3], $0x400, $0x38;
	[tilespmem:$0x1D480] =	vst v63  }
0x112: {  	_ =	swait.ge [sflag:s16], $0x400  }
0x113: {  	s19 =	sadd.s32 $0x400, s19;
	[sflag:s16] =	ssyncset.done $0x0  }
0x114: {  	s30 =	sadd.s32 $0x1, s30;
	s0 =	rddreg [dreg:$0x8]  }
0x115: {  	p0 =	sne.s32 s30, s0  }
.Ltmp3:
0x116: {  	_ = 	snop;
	(pc) =	sbr.rel @p0 .LBB2_1-.Ltmp3, $2  }
0x117: {  	_ =	sdelay $0x2  }
0x118: {  	[sflag:s16] =	ssyncadd.s32 $0xFFFFFC00  }
0x119: {  	_ =	sfence.sel $0x180000  }
0x11a: {  	[bflag:$0x0] =	sbarrier.arrive $0xFFFF  }
0x11b: {  	_ =	strace $0x9000004A  }
0x11c: {  	s0 =	stileid.u32;
	[bflag:$0x2] =	sbarrier.arrive $0xFFFF  }
0x11d: {  	p0 =	sne.s32 s0, $0x0;
	s0 =	rddreg [dreg:$0x4]  }
0x11e: {  	s0 =	sadd.s32 @!p0 $0x100000, s0  }
0x11f: {  	[sflag:s0] =	ssyncadd.tile.s32 @!p0 $0x1;
	_ =	shalt  }
.Lfunc_end2:
_tile_overlayer_lowered:
.L_overlay_start_2:
0x120: {  	(tag) =	ssettag $0x2  }
0x121: {  	s0 =	rddreg [dreg:$0x0];
	s2 =	stileid.u32  }
0x122: {  	s1 =	rddreg [dreg:$0x1];
	p0 =	sne.s32 s2, $0x0  }
0x123: {  	s3 =	rddreg [dreg:$0x2];
	[bflag:$0x3] =	sbarrier.arrive $0xFFFF;
	s2 =	simm.s32 @!p0 $0x1C03  }
0x124: {  	[timem:s3], [sflag:s2] =	dma.local @!p0 [hbm:s0], s1  }
0x125: {  	s0 =	simm.s32 @!p0 $0x3  }
0x126: {  	_ =	swait.ge @!p0 [sflag:s0], s1  }
0x127: {  	s1 =	ssub.s32 @!p0 $0x0, s1;
	[sflag:s0] =	ssyncset.done @!p0 $0x0  }
0x128: {  	[sflag:s0] =	ssyncadd.s32 @!p0 s1  }
0x129: {  	[bflag:$0x3] =	sbarrier.arrive $0xFFFF  }
0x12a: {  	_ =	shalt  }

// kernel: kernel.7.cloned.1.call-start
scs
__scs_entry_jumppad:
0x0: {  	(pc) =	sbr.rel $0x88, $3  }
0x1: {  	(tag) =	ssettag $0x0;
	lr =	simm.s32 $0x1  }
0x2: {  	[smem:$0x3F93] =	sst lr;
	_ =	strace $0xD0000000  }
0x3: {  	_ = 	snop  }
0x4: {  	_ = 	snop  }
0x5: {  	_ = 	snop  }
0x6: {  	_ = 	snop  }
0x7: {  	_ = 	snop  }
__scs_overlays_trampoline_lowered:
0x8: {  	[smem:$0x3FA2] =	sst s0  }
0x9: {  	[smem:$0x3FA3] =	sst s1  }
0xa: {  	[smem:$0x3FA4] =	sst s2  }
0xb: {  	[smem:$0x3FA5] =	sst s3  }
0xc: {  	[smem:$0x3FA6] =	sst s4  }
0xd: {  	[smem:$0x3FA7] =	sst s5  }
0xe: {  	[smem:$0x3FA8] =	sst s6  }
0xf: {  	[smem:$0x3FA9] =	sst s7  }
0x10: {  	[smem:$0x3FAA] =	sst s8  }
0x11: {  	[smem:$0x3FAB] =	sst s9;
	s0 =	simm.s32 @!p0 $0x0  }
0x12: {  	s1 =	sld [smem:$0x3F91];
	s0 =	simm.s32 @p0 $0x1  }
0x13: {  	[smem:$0x3FAC] =	sst s0;
	s0 =	simm.s32 @!p1 $0x0  }
0x14: {  	s2 =	sld [smem:$0x3F90];
	s0 =	simm.s32 @p1 $0x1  }
0x15: {  	[smem:$0x3FAD] =	sst s0;
	s0 =	simm.s32 @!p2 $0x0  }
0x16: {  	s3 =	sld [smem:$0x3FDB];
	s0 =	simm.s32 @p2 $0x1  }
0x17: {  	s4 =	simm.s32 $0x1BF5;
	[smem:$0x3FAF] =	sst s0  }
0x18: {  	s0 =	sld [smem:$0x3F92];
	_ =	swait.ge [sflag:s4], $0x0  }
0x19: {  	s7 =	sld [smem:$0x3F93]  }
0x1a: {  	s8 =	sadd.s32 $0xFFFFE003, lr  }
0x1b: {  	s9 =	sadd.s32 $0xFFFFFEF7, lr;
	s5 =	simm.s32 $0xFFFFFFFF;
	p2 =	slt.u32 s8, $0xFFFFF086  }
0x1c: {  	p1 =	slt.u32 s9, $0xF7A;
	s5 =	simm.s32 @!p2 $0x0  }
0x1d: {  	s5 =	simm.s32 @p1 $0x1;
	p0 =	seq.s32 s7, s2  }
0x1e: {  	s7 =	smul.u32 @!p0 $0xF7A, s2;
	p2 =	seq.s32 @!p0 s5, $0x0  }
0x1f: {  	s9 =	smul.u32 $0xF7A, s1;
	s8 =	simm.s32 @!p0 $0x1BF5;
	p2 =	por !p2, p0  }
0x20: {  	[sflag:s8] =	ssyncset.s32 @!p0 $0xFFFFF086;
	s6 =	sadd.s32 @!p0 s3, s7;
	s7 =	simm.s32 @!p0 $0x108  }
0x21: {  	s3 =	sadd.s32 s3, s9;
	s6 =	sadd.s32 @!p0 $0x88, s6;
	s7 =	simm.s32 @p2 $0x1082  }
0x22: {  	[simem:s7], [sflag:s8] =	dma.local @!p0 [hbm:s6], $0xF7A  }
0x23: {  	s9 =	sor.u32 $0xD0000000, s2;
	s6 =	simm.s32 $0x108;
	_ =	swait.ge @!p0 [sflag:s8], $0x0  }
0x24: {  	s3 =	sadd.s32 $0x88, s3;
	s6 =	simm.s32 @!p1 $0x1082;
	[sflag:s4] =	ssyncset.s32 $0xFFFFF086  }
0x25: {  	[simem:s6], [sflag:s4] =	dma.local [hbm:s3], $0xF7A  }
0x26: {  	[smem:$0x3F93] =	sst s1;
	(tag) =	ssettag s2;
	_ =	strace s9  }
0x27: {  	s1 =	sld [smem:$0x3FA3]  }
0x28: {  	s2 =	sld [smem:$0x3FA4]  }
0x29: {  	s4 =	sld [smem:$0x3FA6]  }
0x2a: {  	p0 =	seq.s32 s5, $0x0;
	s5 =	sld [smem:$0x3FA7]  }
0x2b: {  	s6 =	sld [smem:$0x3FA8]  }
0x2c: {  	s7 =	sld [smem:$0x3FA9]  }
0x2d: {  	s3 =	simm.s32 $0x108;
	s8 =	sld [smem:$0x3FAA]  }
0x2e: {  	s3 =	simm.s32 @!p0 $0x1082;
	s9 =	sld [smem:$0x3FAB]  }
0x2f: {  	lr =	sadd.s32 s0, s3;
	s0 =	sld [smem:$0x3FA2]  }
0x30: {  	s3 =	sld [smem:$0x3FA5]  }
0x31: {  	[smem:$0x3FAE] =	sst s10  }
0x32: {  	s10 =	sld [smem:$0x3FAC];
	_ =	sdelay $0x3  }
0x33: {  	p0 =	seq.s32 s10, $0x1;
	s10 =	sld [smem:$0x3FAE];
	_ =	sdelay $0x3  }
0x34: {  	[smem:$0x3FAE] =	sst s10  }
0x35: {  	s10 =	sld [smem:$0x3FAD];
	_ =	sdelay $0x3  }
0x36: {  	p1 =	seq.s32 s10, $0x1;
	s10 =	sld [smem:$0x3FAE];
	_ =	sdelay $0x3  }
0x37: {  	[smem:$0x3FAE] =	sst s10  }
0x38: {  	s10 =	sld [smem:$0x3FAF]  }
0x39: {  	_ = 	snop;
	(pc) =	sbr.ind lr, $3  }
0x3a: {  	_ = 	snop  }
0x3b: {  	_ = 	snop  }
0x3c: {  	p2 =	seq.s32 s10, $0x1;
	s10 =	sld [smem:$0x3FAE]  }
0x3d: {  	_ =	shalt  }
0x3e: {  	_ =	shalt  }
0x3f: {  	_ =	shalt  }
0x40: {  	_ =	shalt  }
0x41: {  	_ =	shalt  }
0x42: {  	_ =	shalt  }
0x43: {  	_ =	shalt  }
0x44: {  	_ =	shalt  }
0x45: {  	_ =	shalt  }
0x46: {  	_ =	shalt  }
0x47: {  	_ =	shalt  }
0x48: {  	_ =	shalt  }
0x49: {  	_ =	shalt  }
0x4a: {  	_ =	shalt  }
0x4b: {  	_ =	shalt  }
0x4c: {  	_ =	shalt  }
0x4d: {  	_ =	shalt  }
0x4e: {  	_ =	shalt  }
0x4f: {  	_ =	shalt  }
0x50: {  	_ =	shalt  }
0x51: {  	_ =	shalt  }
0x52: {  	_ =	shalt  }
0x53: {  	_ =	shalt  }
0x54: {  	_ =	shalt  }
0x55: {  	_ =	shalt  }
0x56: {  	_ =	shalt  }
0x57: {  	_ =	shalt  }
0x58: {  	_ =	shalt  }
0x59: {  	_ =	shalt  }
0x5a: {  	_ =	shalt  }
0x5b: {  	_ =	shalt  }
0x5c: {  	_ =	shalt  }
0x5d: {  	_ =	shalt  }
0x5e: {  	_ =	shalt  }
0x5f: {  	_ =	shalt  }
0x60: {  	_ =	shalt  }
0x61: {  	_ =	shalt  }
0x62: {  	_ =	shalt  }
0x63: {  	_ =	shalt  }
0x64: {  	_ =	shalt  }
0x65: {  	_ =	shalt  }
0x66: {  	_ =	shalt  }
0x67: {  	_ =	shalt  }
0x68: {  	_ =	shalt  }
0x69: {  	_ =	shalt  }
0x6a: {  	_ =	shalt  }
0x6b: {  	_ =	shalt  }
0x6c: {  	_ =	shalt  }
0x6d: {  	_ =	shalt  }
0x6e: {  	_ =	shalt  }
0x6f: {  	_ =	shalt  }
0x70: {  	_ =	shalt  }
0x71: {  	_ =	shalt  }
0x72: {  	_ =	shalt  }
0x73: {  	_ =	shalt  }
0x74: {  	_ =	shalt  }
0x75: {  	_ =	shalt  }
0x76: {  	_ =	shalt  }
0x77: {  	_ =	shalt  }
0x78: {  	_ =	shalt  }
0x79: {  	_ =	shalt  }
0x7a: {  	_ =	shalt  }
0x7b: {  	_ =	shalt  }
0x7c: {  	_ =	shalt  }
0x7d: {  	_ =	shalt  }
0x7e: {  	_ =	shalt  }
0x7f: {  	_ =	shalt  }
0x80: {  	_ =	shalt  }
0x81: {  	_ =	shalt  }
0x82: {  	_ =	shalt  }
0x83: {  	_ =	shalt  }
0x84: {  	_ =	shalt  }
0x85: {  	_ =	shalt  }
0x86: {  	_ =	shalt  }
0x87: {  	_ =	shalt  }
.Lfunc_end0:
.L_simem_size_0:
called_computation_lowered:
.L_overlay_start_0:
0x88: {  	s2 =	sld [smem:$0x3FD9]  }
0x89: {  	s3 =	sld [smem:$0x3FFE];
	_ =	sdelay $0x1  }
0x8a: {  	s1 =	srdreg.scid  }
0x8b: {  	s0 =	sand.u32 $0x1, s1  }
0x8c: {  	s14 =	sshll.u32 s0, $0xA;
	s2 =	sadd.s32 s3, s2  }
0x8d: {  	s2 =	sadd.s32 s2, s14  }
0x8e: {  	[smem:$0x3FBA] =	sst s2  }
0x8f: {  	_ = 	snop  }
0x90: {  	s2 =	sld [smem:$0x3FD0];
	_ =	sdelay $0x2  }
0x91: {  	s15 =	simm.s32 $0xA;
	s4 =	simm.s32 $0x10  }
0x92: {  	[smem:s4], [sflag:s15] =	dma.local [hbm:s2], $0x1  }
0x93: {  	_ =	swait.eq [sflag:s15], $0x1  }
0x94: {  	[sflag:s15] =	ssyncset.done $0x0  }
0x95: {  	s16 =	sld [smem:$0x10];
	[sflag:s15] =	ssyncadd.s32 $0xFFFFFFFF  }
0x96: {  	s17 =	sld [smem:$0x11];
	(tm) =	ssettm $0x1  }
0x97: {  	s18 =	sld [smem:$0x3FFB];
	_ =	sdelay $0x3  }
0x98: {  	_ =	strace s18  }
0x99: {  	s4 =	sld [smem:$0x3FFC];
	_ =	sdelay $0x3  }
0x9a: {  	_ =	strace s4  }
0x9b: {  	s4 =	sld [smem:$0x3FFD];
	_ =	sdelay $0x3  }
0x9c: {  	_ =	strace s4  }
0x9d: {  	_ =	strace $0x8FFFFFFF  }
0x9e: {  	s19 =	sld [smem:$0x3FDB];
	_ =	sdelay $0x1  }
0x9f: {  	s5 =	simm.s32 $_scs_section_size  }
0xa0: {  	s6 =	simm.s32 $_size__tile_overlayer_lowered;
	s7 =	simm.s32 $_tile_overlayer_lowered  }
0xa1: {  	s22 =	simm.s32 $0x1BFF;
	s21 =	sshll.u32 s7, $0x1;
	s4 =	sadd.s32 s5, s19  }
0xa2: {  	s8 =	simm.s32 $0x0;
	s20 =	sshll.u32 s6, $0x1;
	s6 =	sadd.s32 s21, s4  }
0xa3: {  	[timem:s8], [sflag:s22] =	dma.local [hbm:s6], s20  }
0xa4: {  	_ =	swait.ge [sflag:s22], s20  }
0xa5: {  	s5 =	ssub.s32 $0x0, s20;
	[sflag:s22] =	ssyncset.done $0x0  }
0xa6: {  	[sflag:s22] =	ssyncadd.s32 s5;
	_ =	sdelay $0x1  }
0xa7: {  	s23 =	simm.s32 $0x1B8B  }
0xa8: {  	_ =	swait.ge [sflag:s23], $0x1  }
0xa9: {  	[sflag:s23] =	ssyncset.done $0x0  }
0xaa: {  	s25 =	simm.s32 $0x1B8E;
	s24 =	sld [smem:$0x3FFE];
	[sflag:s23] =	ssyncadd.s32 $0xFFFFFFFF  }
0xab: {  	s26 =	simm.s32 $execute0_lowered;
	[smem:$0x3FD2] =	sst s25  }
0xac: {  	s6 =	sshll.u32 s26, $0x1;
	_ =	strace $0x80000046;
	[dreg:$0x1] =	wrdreg $0xFFFFFFFF  }
0xad: {  	s28 =	simm.s32 $_size_execute0_lowered;
	s4 =	sadd.s32 s4, s6;
	[dreg:$0x0] =	wrdreg $0x0  }
0xae: {  	s6 =	sshll.u32 s28, $0x1;
	[dreg:$0x2] =	wrdreg s4  }
0xaf: {  	[dreg:$0x3] =	wrdreg s6  }
0xb0: {  	[dreg:$0x4] =	wrdreg $0xC0  }
0xb1: {  	_ =	task [dreg:s8], $0x5FFFF  }
0xb2: {  	[dreg:$0x1] =	wrdreg $0xFFFFFFFF  }
0xb3: {  	[dreg:$0x0] =	wrdreg $0x60  }
0xb4: {  	[dreg:$0x2] =	wrdreg s16  }
0xb5: {  	[dreg:$0x3] =	wrdreg s24  }
0xb6: {  	[dreg:$0x4] =	wrdreg s17  }
0xb7: {  	[dreg:$0x5] =	wrdreg $0x9  }
0xb8: {  	_ =	task.clear_ibuf [dreg:s8], $0x6FFFF;
	_ =	strace $0x90000046  }
0xb9: {  	s29 =	simm.s32 $0x9;
	_ =	strace $0x80000048  }
0xba: {  	_ =	swait.ge [sflag:s29], $0x1  }
0xbb: {  	[sflag:s29] =	ssyncadd.s32 $0xFFFFFFFF  }
0xbc: {  	_ =	strace $0x90000048  }
0xbd: {  	_ =	sfence  }
0xbe: {  	s30 =	sld [smem:$0x0];
	_ =	sdelay $0x2  }
0xbf: {  	s31 =	sshll.u32 s1, $0xD;
	s1 =	sshrl.u32 s1, $0x2  }
0xc0: {  	s3 =	sand.u32 $0x4000, s31;
	s1 =	sadd.s32 s1, s30  }
0xc1: {  	s0 =	sor.u32 s3, s0;
	s1 =	sshll.u32 s1, $0x11  }
0xc2: {  	s0 =	sor.u32 s1, s0  }
0xc3: {  	s0 =	sadd.s32 $0x8F2B, s0  }
0xc4: {  	[sflag:s0] =	ssyncadd.remote.s32 $0x1  }
0xc5: {  	_ =	sfence.sel $0xFFFF  }
0xc6: {  	[dreg:$0x0] =	wrdreg $0xFFFFFFFF;
	(pc) =	sbr.abs _section_cstart, $3  }
0xc7: {  	[dreg:$0x1] =	wrdreg $0xFFFFFFFF  }
0xc8: {  	_ =	task.clear_ibuf [dreg:s8], $0x2FFFF;
	_ =	strace $0x9FFFFFFF  }
0xc9: {  	(tm) =	ssettm $0x7FFFFFFF  }
tec
execute0_lowered:
.L_overlay_start_1:
0x0: {  	(tag) =	ssettag $0x1  }
0x1: {  	s1 =	rddreg [dreg:$0x0]  }
0x2: {  	s0 =	rddreg [dreg:$0x1];
	s2 =	srdreg.scid  }
0x3: {  	s4 =	simm.s32 $0x0;
	s6 =	stileid.u32;
	s16 =	simm.s32 $0x3  }
0x4: {  	s17 =	simm.s32 $0x80;
	s18 =	simm.s32 $0x200;
	s19 =	simm.s32 $0x2A00  }
0x5: {  	s20 =	simm.s32 $0x100;
	s21 =	simm.s32 $0x180;
	s22 =	simm.s32 $0x5200  }
0x6: {  	s23 =	simm.s32 $0x7A00;
	s24 =	simm.s32 $0x1;
	s25 =	simm.s32 $0xA200  }
0x7: {  	s28 =	simm.s32 $0xE200;
	s29 =	simm.s32 $0x0;
	s2 =	sand.u32 $0x1, s2  }
0x8: {  	[smem:$0x7FF] =	sst s4;
	s5 =	sadd.s32 $0x3E00, s0;
	s3 =	sshll.u32 s2, $0x4  }
0x9: {  	s8 =	sadd.s32 $0x30600, s0;
	s9 =	sadd.s32 $0x3A600, s0;
	s3 =	sor.u32 s6, s3  }
0xa: {  	s10 =	sadd.s32 $0x3A800, s0;
	s2 =	ssub.s32 $0x2, s2;
	s7 =	smul.u32 $0x2800, s3  }
0xb: {  	_ =	strace $0x80000047;
	s6 =	sadd.s32 $0x1C600, s0;
	s26 =	sshrl.u32 s2, $0x1  }
0xc: {  	s30 =	ssub.s32 s2, s26;
	s26 =	simm.s32 $0x2;
	s31 =	sshrl.u32 s7, $0x3  }
0xd: {  	s13 =	smax.u32 s30, $0x1;
	s11 =	sadd.s32 s6, s31;
	s12 =	sadd.s32 s8, s31  }
.LBB2_1:
0xe: {  	s0 =	rddreg [dreg:$0x2];
	s2 =	simm.s32 $0x12200  }
0xf: {  	[tilespmem:s2], [sflag:$0x3] =	stream.linear.gather [hbm4b:s0+s4], $0x1, $0x38;
	[tilespmem:$0x12220] =	vst v63  }
0x10: {  	s30 =	simm.s32 $0x12210  }
0x11: {  	[tilespmem:s30], [sflag:$0x3] =	stream.linear.gather [hbm4b:s9+s4], $0x1, $0x38;
	[tilespmem:$0x12220] =	vst v63  }
0x12: {  	_ =	swait.ge [sflag:s16], $0x1  }
0x13: {  	[sflag:s16] =	ssyncset.done $0x0  }
0x14: {  	[sflag:s16] =	ssyncadd.s32 $0xFFFFFFFF  }
0x15: {  	_ =	swait.ge [sflag:s16], $0x1  }
0x16: {  	[sflag:s16] =	ssyncset.done $0x0  }
0x17: {  	[sflag:s16] =	ssyncadd.s32 $0xFFFFFFFF  }
0x18: {  	v0 =	vld.msk [tilespmem:$0x12200 ss:$0x0], $0xffff  }
0x19: {  	v1 =	vld.msk [tilespmem:$0x12210 ss:$0x0], $0xffff;
	[tilespmem:s4], [sflag:$0x3] =	stream.linear.gather [hbm4b:s11+s4], $0x80, $0x38  }
0x1a: {  	_ =	swait.ge [sflag:s16], $0x80  }
0x1b: {  	[sflag:s16] =	ssyncset.done $0x0  }
0x1c: {  	[sflag:s16] =	ssyncadd.s32 $0xFFFFFF80  }
0x1d: {  	[tilespmem:s17], [sflag:$0x3] =	stream.linear.gather [hbm4b:s12+s4], $0x80, $0x38;
	[tilespmem:$0x12220] =	vst v63  }
0x1e: {  	_ =	swait.ge [sflag:s16], $0x80  }
0x1f: {  	[sflag:s16] =	ssyncset.done $0x0  }
0x20: {  	[sflag:s16] =	ssyncadd.s32 $0xFFFFFF80  }
0x21: {  	[tilespmem:s18], [sflag:$0x1] =	stream.indirect.gather [hbm4b:s1+s17], $0x50, s4, s17, $0xb8;
	[tilespmem:$0x12220] =	vst v63  }
0x22: {  	s31 =	simm.s32 $0x0  }
0x23: {  	[tilespmem:s19], [sflag:$0x1] =	stream.indirect.gather [hbm4b:s5+s17], $0x50, s17, s17, $0xb8;
	[tilespmem:$0x12220] =	vst v63  }
.LBB2_2:
0x24: {  	s0 =	sshll.u32 s31, $0x8  }
0x25: {  	s0 =	sadd.s32 s7, s0  }
0x26: {  	s30 =	sor.u32 $0x80, s0  }
0x27: {  	s2 =	sshrl.u32 s30, $0x3  }
0x28: {  	s14 =	simm.s32 $0x0;
	s3 =	sadd.s32 s6, s2  }
0x29: {  	[tilespmem:s20], [sflag:$0x3] =	stream.linear.gather [hbm4b:s3+s14], $0x80, $0x38;
	[tilespmem:$0x12220] =	vst v63  }
0x2a: {  	_ =	swait.ge [sflag:s16], $0x80  }
0x2b: {  	[sflag:s16] =	ssyncset.done $0x0  }
0x2c: {  	s2 =	sadd.s32 s8, s2;
	[sflag:s16] =	ssyncadd.s32 $0xFFFFFF80  }
0x2d: {  	[tilespmem:s21], [sflag:$0x3] =	stream.linear.gather [hbm4b:s2+s14], $0x80, $0x38;
	[tilespmem:$0x12220] =	vst v63  }
0x2e: {  	_ =	swait.ge [sflag:s16], $0x80  }
0x2f: {  	[sflag:s16] =	ssyncset.done $0x0  }
0x30: {  	[sflag:s16] =	ssyncadd.s32 $0xFFFFFF80  }
0x31: {  	[tilespmem:s22], [sflag:$0x2] =	stream.indirect.gather [hbm4b:s1+s17], $0x50, s20, s17, $0xb8;
	[tilespmem:$0x12220] =	vst v63  }
0x32: {  	_ = 	snop  }
0x33: {  	[tilespmem:s23], [sflag:$0x2] =	stream.indirect.gather [hbm4b:s5+s17], $0x50, s21, s17, $0xb8;
	[tilespmem:$0x12220] =	vst v63  }
0x34: {  	_ =	swait.ge [sflag:s24], $0x2800  }
0x35: {  	[sflag:s24] =	ssyncset.done $0x0  }
0x36: {  	[sflag:s24] =	ssyncadd.s32 $0xFFFFD800  }
0x37: {  	_ =	swait.ge [sflag:s24], $0x2800  }
0x38: {  	[sflag:s24] =	ssyncset.done $0x0  }
0x39: {  	s15 =	simm.s32 $0x0;
	[sflag:s24] =	ssyncadd.s32 $0xFFFFD800  }
0x3a: {  	v2 =	vld [tilespmem:s15+$0x200]  }
0x3b: {  	v3 =	vld [tilespmem:s15+$0x2A00];
	_ =	sdelay $0x3  }
0x3c: {  	v4 =	vshll.u32 v2, $0x10  }
0x3d: {  	v2 =	vand.u32 v0, v2;
	v5 =	vshll.u32 v3, $0x10;
	v3 =	vand.u32 v0, v3  }
0x3e: {  	v4 =	vadd.f32 v5, v4;
	v2 =	vadd.f32 v3, v2;
	_ =	sdelay $0x1  }
0x3f: {  	v3 =	vadd.s32 v4, v1;
	v2 =	vadd.s32 v2, v1  }
0x40: {  	v3 =	vshrl.u32 v3, $0x10;
	v2 =	vand.u32 v0, v2  }
0x41: {  	s3 =	simm.s32 $0xA220;
	v2 =	vor.u32 v2, v3  }
0x42: {  	[tilespmem:s3+$0xFFFFFFE0] =	vst v2  }
0x43: {  	v2 =	vld [tilespmem:s15+$0x210]  }
0x44: {  	v3 =	vld [tilespmem:s15+$0x2A10];
	_ =	sdelay $0x3  }
0x45: {  	v4 =	vshll.u32 v2, $0x10  }
0x46: {  	v2 =	vand.u32 v0, v2;
	v5 =	vshll.u32 v3, $0x10;
	v3 =	vand.u32 v0, v3  }
0x47: {  	v4 =	vadd.f32 v5, v4;
	v2 =	vadd.f32 v3, v2;
	_ =	sdelay $0x1  }
0x48: {  	v3 =	vadd.s32 v4, v1;
	v2 =	vadd.s32 v2, v1  }
0x49: {  	v3 =	vshrl.u32 v3, $0x10;
	v2 =	vand.u32 v0, v2  }
0x4a: {  	v2 =	vor.u32 v2, v3  }
0x4b: {  	[tilespmem:s3+$0xFFFFFFF0] =	vst v2  }
0x4c: {  	v2 =	vld [tilespmem:s15+$0x220]  }
0x4d: {  	v3 =	vld [tilespmem:s15+$0x2A20];
	_ =	sdelay $0x3  }
0x4e: {  	v4 =	vshll.u32 v2, $0x10  }
0x4f: {  	v2 =	vand.u32 v0, v2;
	v5 =	vshll.u32 v3, $0x10;
	v3 =	vand.u32 v0, v3  }
0x50: {  	v4 =	vadd.f32 v5, v4;
	v2 =	vadd.f32 v3, v2;
	_ =	sdelay $0x1  }
0x51: {  	v3 =	vadd.s32 v4, v1;
	v2 =	vadd.s32 v2, v1  }
0x52: {  	v3 =	vshrl.u32 v3, $0x10;
	v2 =	vand.u32 v0, v2  }
0x53: {  	v2 =	vor.u32 v2, v3  }
0x54: {  	[tilespmem:s3+$0x0] =	vst v2  }
0x55: {  	v2 =	vld [tilespmem:s15+$0x230]  }
0x56: {  	v3 =	vld [tilespmem:s15+$0x2A30];
	_ =	sdelay $0x3  }
0x57: {  	v4 =	vshll.u32 v2, $0x10  }
0x58: {  	v2 =	vand.u32 v0, v2;
	v5 =	vshll.u32 v3, $0x10;
	v3 =	vand.u32 v0, v3  }
0x59: {  	v4 =	vadd.f32 v5, v4;
	v2 =	vadd.f32 v3, v2;
	_ =	sdelay $0x1  }
0x5a: {  	v3 =	vadd.s32 v4, v1;
	v2 =	vadd.s32 v2, v1  }
0x5b: {  	v3 =	vshrl.u32 v3, $0x10;
	v2 =	vand.u32 v0, v2  }
0x5c: {  	v2 =	vor.u32 v2, v3  }
0x5d: {  	[tilespmem:s3+$0x10] =	vst v2  }
0x5e: {  	v2 =	vld [tilespmem:s15+$0x240]  }
0x5f: {  	s14 =	simm.s32 $0x140;
	s2 =	simm.s32 $0xA220;
	v3 =	vld [tilespmem:s15+$0x2A40]  }
.LBB2_3:
0x60: {  	p0 =	sne.s32 s14, $0x9EC0  }
0x61: {  	s3 =	sadd.s32 $0x80, s3;
	s15 =	smov.u32 s14;
	s14 =	sadd.s32 $0x140, s14  }
0x62: {  	_ =	sdelay $0x1  }
0x63: {  	v2 =	vsub.f32 v2, v3;
	_ =	sdelay $0x1  }
0x64: {  	s15 =	sshra.s32 s15, $0x2;
	[tilespmem:s2+$0x20] =	vst v2;
	s2 =	smov.u32 s3  }
0x65: {  	v2 =	vld [tilespmem:s15+$0x200]  }
0x66: {  	v3 =	vld [tilespmem:s15+$0x2A00];
	_ =	sdelay $0x3  }
0x67: {  	v4 =	vshll.u32 v2, $0x10;
	v2 =	vand.u32 v0, v2  }
0x68: {  	v5 =	vshll.u32 v3, $0x10;
	v3 =	vand.u32 v0, v3  }
0x69: {  	v4 =	vadd.f32 v5, v4;
	v2 =	vadd.f32 v3, v2;
	_ =	sdelay $0x1  }
0x6a: {  	v3 =	vadd.s32 v4, v1;
	v2 =	vadd.s32 v2, v1  }
0x6b: {  	v3 =	vshrl.u32 v3, $0x10;
	v2 =	vand.u32 v0, v2  }
0x6c: {  	v2 =	vor.u32 v2, v3  }
0x6d: {  	[tilespmem:s3+$0xFFFFFFE0] =	vst v2  }
0x6e: {  	v2 =	vld [tilespmem:s15+$0x210]  }
0x6f: {  	v3 =	vld [tilespmem:s15+$0x2A10];
	_ =	sdelay $0x3  }
0x70: {  	v4 =	vshll.u32 v2, $0x10;
	v2 =	vand.u32 v0, v2  }
0x71: {  	v5 =	vshll.u32 v3, $0x10;
	v3 =	vand.u32 v0, v3  }
0x72: {  	v4 =	vadd.f32 v5, v4;
	v2 =	vadd.f32 v3, v2;
	_ =	sdelay $0x1  }
0x73: {  	v3 =	vadd.s32 v4, v1;
	v2 =	vadd.s32 v2, v1  }
0x74: {  	v3 =	vshrl.u32 v3, $0x10;
	v2 =	vand.u32 v0, v2  }
0x75: {  	v2 =	vor.u32 v2, v3  }
0x76: {  	[tilespmem:s3+$0xFFFFFFF0] =	vst v2  }
0x77: {  	v2 =	vld [tilespmem:s15+$0x220]  }
0x78: {  	v3 =	vld [tilespmem:s15+$0x2A20];
	_ =	sdelay $0x3  }
0x79: {  	v4 =	vshll.u32 v2, $0x10;
	v2 =	vand.u32 v0, v2  }
0x7a: {  	v5 =	vshll.u32 v3, $0x10;
	v3 =	vand.u32 v0, v3  }
0x7b: {  	v4 =	vadd.f32 v5, v4;
	v2 =	vadd.f32 v3, v2;
	_ =	sdelay $0x1  }
0x7c: {  	v3 =	vadd.s32 v4, v1;
	v2 =	vadd.s32 v2, v1  }
0x7d: {  	v3 =	vshrl.u32 v3, $0x10;
	v2 =	vand.u32 v0, v2  }
0x7e: {  	v2 =	vor.u32 v2, v3  }
0x7f: {  	[tilespmem:s3+$0x0] =	vst v2  }
0x80: {  	v2 =	vld [tilespmem:s15+$0x230]  }
0x81: {  	v3 =	vld [tilespmem:s15+$0x2A30];
	_ =	sdelay $0x3  }
0x82: {  	v4 =	vshll.u32 v2, $0x10;
	v2 =	vand.u32 v0, v2  }
0x83: {  	v5 =	vshll.u32 v3, $0x10;
	v3 =	vand.u32 v0, v3  }
0x84: {  	v4 =	vadd.f32 v5, v4;
	v2 =	vadd.f32 v3, v2;
	_ =	sdelay $0x1  }
0x85: {  	v3 =	vadd.s32 v4, v1;
	v2 =	vadd.s32 v2, v1  }
.Ltmp0:
0x86: {  	v3 =	vshrl.u32 v3, $0x10;
	v2 =	vand.u32 v0, v2;
	(pc) =	sbr.rel @p0 .LBB2_3-.Ltmp0, $4  }
0x87: {  	v2 =	vor.u32 v2, v3  }
0x88: {  	[tilespmem:s3+$0x10] =	vst v2  }
0x89: {  	v2 =	vld [tilespmem:s15+$0x240]  }
0x8a: {  	v3 =	vld [tilespmem:s15+$0x2A40]  }
0x8b: {  	_ =	sdelay $0x3  }
0x8c: {  	v2 =	vsub.f32 v2, v3  }
0x8d: {  	s3 =	sshll.u32 s0, $0x4  }
0x8e: {  	p0 =	seq.s32 s31, $0x27;
	s14 =	sadd.s32 s10, s3;
	[tilespmem:s2+$0x20] =	vst v2  }
0x8f: {  	[hbm4b:s14+s4] =	stream.linear.scatter [tilespmem:s25], [sflag:$0x3], $0x4000, $0x38;
	[tilespmem:$0x12220] =	vst v63  }
0x90: {  	s0 =	sshrl.u32 @!p0 s0, $0x3;
	_ =	swait.ge [sflag:s16], $0x4000  }
0x91: {  	s0 =	sadd.s32 @!p0 $0x20, s0;
	[sflag:s16] =	ssyncset.done $0x0  }
0x92: {  	s3 =	simm.s32 @!p0 $0x0;
	s2 =	sadd.s32 @!p0 s6, s0;
	[sflag:s16] =	ssyncadd.s32 $0xFFFFC000  }
0x93: {  	[tilespmem:s3], [sflag:$0x3] =	stream.linear.gather @!p0 [hbm4b:s2+s3], $0x80, $0x38;
	[tilespmem:$0x12220] =	vst v63  }
0x94: {  	s2 =	simm.s32 @!p0 $0x3  }
0x95: {  	_ =	swait.ge @!p0 [sflag:s2], $0x80  }
0x96: {  	[sflag:s2] =	ssyncset.done @!p0 $0x0  }
0x97: {  	s0 =	sadd.s32 @!p0 s8, s0;
	s14 =	simm.s32 @!p0 $0x80;
	[sflag:s2] =	ssyncadd.s32 @!p0 $0xFFFFFF80  }
0x98: {  	[tilespmem:s14], [sflag:$0x3] =	stream.linear.gather @!p0 [hbm4b:s0+s3], $0x80, $0x38;
	[tilespmem:$0x12220] =	vst v63  }
0x99: {  	_ =	swait.ge @!p0 [sflag:s2], $0x80  }
0x9a: {  	[sflag:s2] =	ssyncset.done @!p0 $0x0  }
0x9b: {  	s0 =	simm.s32 @!p0 $0x200;
	[sflag:s2] =	ssyncadd.s32 @!p0 $0xFFFFFF80  }
0x9c: {  	[tilespmem:s0], [sflag:$0x1] =	stream.indirect.gather @!p0 [hbm4b:s1+s14], $0x50, s3, s14, $0xb8;
	[tilespmem:$0x12220] =	vst v63  }
0x9d: {  	s0 =	simm.s32 @!p0 $0x2A00  }
0x9e: {  	[tilespmem:s0], [sflag:$0x1] =	stream.indirect.gather @!p0 [hbm4b:s5+s14], $0x50, s14, s14, $0xb8;
	[tilespmem:$0x12220] =	vst v63  }
0x9f: {  	_ =	swait.ge [sflag:s26], $0x2800  }
0xa0: {  	[sflag:s26] =	ssyncset.done $0x0  }
0xa1: {  	[sflag:s26] =	ssyncadd.s32 $0xFFFFD800  }
0xa2: {  	_ =	swait.ge [sflag:s26], $0x2800  }
0xa3: {  	[sflag:s26] =	ssyncset.done $0x0  }
0xa4: {  	s15 =	simm.s32 $0x0;
	[sflag:s26] =	ssyncadd.s32 $0xFFFFD800  }
0xa5: {  	v2 =	vld [tilespmem:s15+$0x5200]  }
0xa6: {  	v3 =	vld [tilespmem:s15+$0x7A00];
	_ =	sdelay $0x3  }
0xa7: {  	v4 =	vshll.u32 v2, $0x10  }
0xa8: {  	v2 =	vand.u32 v0, v2;
	v5 =	vshll.u32 v3, $0x10;
	v3 =	vand.u32 v0, v3  }
0xa9: {  	v4 =	vadd.f32 v5, v4;
	v2 =	vadd.f32 v3, v2;
	_ =	sdelay $0x1  }
0xaa: {  	v3 =	vadd.s32 v4, v1;
	v2 =	vadd.s32 v2, v1  }
0xab: {  	v3 =	vshrl.u32 v3, $0x10;
	v2 =	vand.u32 v0, v2  }
0xac: {  	s0 =	simm.s32 $0xE220;
	v2 =	vor.u32 v2, v3  }
0xad: {  	[tilespmem:s0+$0xFFFFFFE0] =	vst v2  }
0xae: {  	v2 =	vld [tilespmem:s15+$0x5210]  }
0xaf: {  	v3 =	vld [tilespmem:s15+$0x7A10];
	_ =	sdelay $0x3  }
0xb0: {  	v4 =	vshll.u32 v2, $0x10  }
0xb1: {  	v2 =	vand.u32 v0, v2;
	v5 =	vshll.u32 v3, $0x10;
	v3 =	vand.u32 v0, v3  }
0xb2: {  	v4 =	vadd.f32 v5, v4;
	v2 =	vadd.f32 v3, v2;
	_ =	sdelay $0x1  }
0xb3: {  	v3 =	vadd.s32 v4, v1;
	v2 =	vadd.s32 v2, v1  }
0xb4: {  	v3 =	vshrl.u32 v3, $0x10;
	v2 =	vand.u32 v0, v2  }
0xb5: {  	v2 =	vor.u32 v2, v3  }
0xb6: {  	[tilespmem:s0+$0xFFFFFFF0] =	vst v2  }
0xb7: {  	v2 =	vld [tilespmem:s15+$0x5220]  }
0xb8: {  	v3 =	vld [tilespmem:s15+$0x7A20];
	_ =	sdelay $0x3  }
0xb9: {  	v4 =	vshll.u32 v2, $0x10  }
0xba: {  	v2 =	vand.u32 v0, v2;
	v5 =	vshll.u32 v3, $0x10;
	v3 =	vand.u32 v0, v3  }
0xbb: {  	v4 =	vadd.f32 v5, v4;
	v2 =	vadd.f32 v3, v2;
	_ =	sdelay $0x1  }
0xbc: {  	v3 =	vadd.s32 v4, v1;
	v2 =	vadd.s32 v2, v1  }
0xbd: {  	v3 =	vshrl.u32 v3, $0x10;
	v2 =	vand.u32 v0, v2  }
0xbe: {  	v2 =	vor.u32 v2, v3  }
0xbf: {  	[tilespmem:s0+$0x0] =	vst v2  }
0xc0: {  	v2 =	vld [tilespmem:s15+$0x5230]  }
0xc1: {  	v3 =	vld [tilespmem:s15+$0x7A30];
	_ =	sdelay $0x3  }
0xc2: {  	v4 =	vshll.u32 v2, $0x10  }
0xc3: {  	v2 =	vand.u32 v0, v2;
	v5 =	vshll.u32 v3, $0x10;
	v3 =	vand.u32 v0, v3  }
0xc4: {  	v4 =	vadd.f32 v5, v4;
	v2 =	vadd.f32 v3, v2;
	_ =	sdelay $0x1  }
0xc5: {  	v3 =	vadd.s32 v4, v1;
	v2 =	vadd.s32 v2, v1  }
0xc6: {  	v3 =	vshrl.u32 v3, $0x10;
	v2 =	vand.u32 v0, v2  }
0xc7: {  	v2 =	vor.u32 v2, v3  }
0xc8: {  	[tilespmem:s0+$0x10] =	vst v2  }
0xc9: {  	v2 =	vld [tilespmem:s15+$0x5240]  }
0xca: {  	s31 =	sadd.s32 $0x1, s31;
	s2 =	simm.s32 $0x140;
	s3 =	simm.s32 $0xE220;
	v3 =	vld [tilespmem:s15+$0x7A40]  }
.LBB2_5:
0xcb: {  	p0 =	sne.s32 s2, $0x9EC0  }
0xcc: {  	s0 =	sadd.s32 $0x80, s0;
	s14 =	smov.u32 s2;
	s2 =	sadd.s32 $0x140, s2  }
0xcd: {  	_ =	sdelay $0x1  }
0xce: {  	v2 =	vsub.f32 v2, v3;
	_ =	sdelay $0x1  }
0xcf: {  	s14 =	sshra.s32 s14, $0x2;
	[tilespmem:s3+$0x20] =	vst v2;
	s3 =	smov.u32 s0  }
0xd0: {  	v2 =	vld [tilespmem:s14+$0x5200]  }
0xd1: {  	v3 =	vld [tilespmem:s14+$0x7A00];
	_ =	sdelay $0x3  }
0xd2: {  	v4 =	vshll.u32 v2, $0x10;
	v2 =	vand.u32 v0, v2  }
0xd3: {  	v5 =	vshll.u32 v3, $0x10;
	v3 =	vand.u32 v0, v3  }
0xd4: {  	v4 =	vadd.f32 v5, v4;
	v2 =	vadd.f32 v3, v2;
	_ =	sdelay $0x1  }
0xd5: {  	v3 =	vadd.s32 v4, v1;
	v2 =	vadd.s32 v2, v1  }
0xd6: {  	v3 =	vshrl.u32 v3, $0x10;
	v2 =	vand.u32 v0, v2  }
0xd7: {  	v2 =	vor.u32 v2, v3  }
0xd8: {  	[tilespmem:s0+$0xFFFFFFE0] =	vst v2  }
0xd9: {  	v2 =	vld [tilespmem:s14+$0x5210]  }
0xda: {  	v3 =	vld [tilespmem:s14+$0x7A10];
	_ =	sdelay $0x3  }
0xdb: {  	v4 =	vshll.u32 v2, $0x10;
	v2 =	vand.u32 v0, v2  }
0xdc: {  	v5 =	vshll.u32 v3, $0x10;
	v3 =	vand.u32 v0, v3  }
0xdd: {  	v4 =	vadd.f32 v5, v4;
	v2 =	vadd.f32 v3, v2;
	_ =	sdelay $0x1  }
0xde: {  	v3 =	vadd.s32 v4, v1;
	v2 =	vadd.s32 v2, v1  }
0xdf: {  	v3 =	vshrl.u32 v3, $0x10;
	v2 =	vand.u32 v0, v2  }
0xe0: {  	v2 =	vor.u32 v2, v3  }
0xe1: {  	[tilespmem:s0+$0xFFFFFFF0] =	vst v2  }
0xe2: {  	v2 =	vld [tilespmem:s14+$0x5220]  }
0xe3: {  	v3 =	vld [tilespmem:s14+$0x7A20];
	_ =	sdelay $0x3  }
0xe4: {  	v4 =	vshll.u32 v2, $0x10;
	v2 =	vand.u32 v0, v2  }
0xe5: {  	v5 =	vshll.u32 v3, $0x10;
	v3 =	vand.u32 v0, v3  }
0xe6: {  	v4 =	vadd.f32 v5, v4;
	v2 =	vadd.f32 v3, v2;
	_ =	sdelay $0x1  }
0xe7: {  	v3 =	vadd.s32 v4, v1;
	v2 =	vadd.s32 v2, v1  }
0xe8: {  	v3 =	vshrl.u32 v3, $0x10;
	v2 =	vand.u32 v0, v2  }
0xe9: {  	v2 =	vor.u32 v2, v3  }
0xea: {  	[tilespmem:s0+$0x0] =	vst v2  }
0xeb: {  	v2 =	vld [tilespmem:s14+$0x5230]  }
0xec: {  	v3 =	vld [tilespmem:s14+$0x7A30];
	_ =	sdelay $0x3  }
0xed: {  	v4 =	vshll.u32 v2, $0x10;
	v2 =	vand.u32 v0, v2  }
0xee: {  	v5 =	vshll.u32 v3, $0x10;
	v3 =	vand.u32 v0, v3  }
0xef: {  	v4 =	vadd.f32 v5, v4;
	v2 =	vadd.f32 v3, v2;
	_ =	sdelay $0x1  }
0xf0: {  	v3 =	vadd.s32 v4, v1;
	v2 =	vadd.s32 v2, v1  }
.Ltmp1:
0xf1: {  	v3 =	vshrl.u32 v3, $0x10;
	v2 =	vand.u32 v0, v2;
	(pc) =	sbr.rel @p0 .LBB2_5-.Ltmp1, $4  }
0xf2: {  	v2 =	vor.u32 v2, v3  }
0xf3: {  	[tilespmem:s0+$0x10] =	vst v2  }
0xf4: {  	v2 =	vld [tilespmem:s14+$0x5240]  }
0xf5: {  	v3 =	vld [tilespmem:s14+$0x7A40]  }
0xf6: {  	_ =	sdelay $0x3  }
0xf7: {  	s0 =	sshll.u32 s30, $0x4;
	v2 =	vsub.f32 v2, v3  }
0xf8: {  	p0 =	sne.s32 s31, $0x28;
	s0 =	sand.u32 $0x1FFFF800, s0  }
.Ltmp2:
0xf9: {  	s0 =	sadd.s32 s10, s0;
	[tilespmem:s3+$0x20] =	vst v2;
	(pc) =	sbr.rel @p0 .LBB2_2-.Ltmp2, $4  }
0xfa: {  	[hbm4b:s0+s4] =	stream.linear.scatter [tilespmem:s28], [sflag:$0x3], $0x4000, $0x38;
	[tilespmem:$0x12220] =	vst v63  }
0xfb: {  	_ =	swait.ge [sflag:s16], $0x4000  }
0xfc: {  	[sflag:s16] =	ssyncset.done $0x0  }
0xfd: {  	[sflag:s16] =	ssyncadd.s32 $0xFFFFC000  }
0xfe: {  	s29 =	sadd.s32 $0x1, s29  }
0xff: {  	p0 =	sne.s32 s29, s13  }
.Ltmp3:
0x100: {  	_ = 	snop;
	(pc) =	sbr.rel @p0 .LBB2_1-.Ltmp3, $1  }
0x101: {  	_ =	sdelay $0x3  }
0x102: {  	_ =	sfence.sel $0x180000  }
0x103: {  	[bflag:$0x0] =	sbarrier.arrive $0xFFFF  }
0x104: {  	_ =	strace $0x90000047  }
0x105: {  	s0 =	stileid.u32;
	[bflag:$0x2] =	sbarrier.arrive $0xFFFF  }
0x106: {  	p0 =	sne.s32 s0, $0x0;
	s0 =	rddreg [dreg:$0x3]  }
0x107: {  	s0 =	sadd.s32 @!p0 $0x100000, s0  }
0x108: {  	[sflag:s0] =	ssyncadd.tile.s32 @!p0 $0x1;
	_ =	shalt  }
.Lfunc_end2:
_tile_overlayer_lowered:
.L_overlay_start_2:
0x109: {  	(tag) =	ssettag $0x2  }
0x10a: {  	s0 =	rddreg [dreg:$0x0];
	s2 =	stileid.u32  }
0x10b: {  	s1 =	rddreg [dreg:$0x1];
	p0 =	sne.s32 s2, $0x0  }
0x10c: {  	s3 =	rddreg [dreg:$0x2];
	[bflag:$0x3] =	sbarrier.arrive $0xFFFF;
	s2 =	simm.s32 @!p0 $0x1C03  }
0x10d: {  	[timem:s3], [sflag:s2] =	dma.local @!p0 [hbm:s0], s1  }
0x10e: {  	s0 =	simm.s32 @!p0 $0x3  }
0x10f: {  	_ =	swait.ge @!p0 [sflag:s0], s1  }
0x110: {  	s1 =	ssub.s32 @!p0 $0x0, s1;
	[sflag:s0] =	ssyncset.done @!p0 $0x0  }
0x111: {  	[sflag:s0] =	ssyncadd.s32 @!p0 s1  }
0x112: {  	[bflag:$0x3] =	sbarrier.arrive $0xFFFF  }
0x113: {  	_ =	shalt  }

</sc_bundles>
